<compile_context>
chip_gen: v7x
topology: tpu7x:2x2x1
jax: 0.10.2.dev20260603
libtpu: 0.0.44.dev20260713+nightly
codegen_flags: <defaults>
</compile_context>

<pallas_src>
import functools

import jax
import jax.numpy as jnp
from jax import lax
from jax.experimental import pallas as pl
from jax.experimental.pallas import tpu as pltpu
from jax.experimental.pallas import tpu_sc as plsc

N = 10000
E = 320000
D = 128
G = 64

NC = 2
NS = 16
NW = NC * NS
EPW = E // NW
CH = 80
NCHUNK = EPW // CH
N_PAD = 10240
RPT = N_PAD // NS

BN = 1000
NBLK = N // BN

_sc_mesh = plsc.VectorSubcoreMesh(core_axis_name="core", subcore_axis_name="subcore")



def _deg_kernel(dstp, ones_rows, zeros16):

    @functools.partial(
        pl.kernel,
        out_type=jax.ShapeDtypeStruct((NC, N_PAD, 16), jnp.float32),
        mesh=_sc_mesh,
        scratch_types=[
            pltpu.VMEM_SHARED((N_PAD, 16), jnp.float32),
            pltpu.VMEM((NCHUNK, 1, CH), jnp.int32),
            pltpu.VMEM((CH, 16), jnp.float32),
        ],
    )
    def k(dst_hbm, ones_hbm, zeros_hbm, out_hbm, acc, idx_v, ones_v):
        cid = lax.axis_index("core")
        sid = lax.axis_index("subcore")
        wid = cid * NS + sid
        pltpu.sync_copy(zeros_hbm, acc.at[pl.ds(sid * RPT, RPT)])
        pltpu.sync_copy(ones_hbm, ones_v)
        pltpu.sync_copy(dst_hbm.at[wid], idx_v)
        plsc.subcore_barrier()

        @pl.loop(0, NCHUNK)
        def _(j):
            pltpu.sync_copy(ones_v, acc.at[idx_v.at[j, 0]], add=True)

        plsc.subcore_barrier()
        pltpu.sync_copy(acc.at[pl.ds(sid * RPT, RPT)],
                        out_hbm.at[cid, pl.ds(sid * RPT, RPT)])

    return k(dstp, ones_rows, zeros16)


def _edge_scatter(S, src3, dst4, zeros128):

    @functools.partial(
        pl.kernel,
        out_type=jax.ShapeDtypeStruct((NC, N_PAD, D), jnp.float32),
        mesh=_sc_mesh,
        scratch_types=[
            pltpu.VMEM_SHARED((N_PAD, D), jnp.float32),
            pltpu.VMEM((EPW,), jnp.int32),
            pltpu.VMEM((NCHUNK, 1, CH), jnp.int32),
            pltpu.VMEM((2, CH, D), jnp.float32),
            pltpu.SemaphoreType.DMA((2,)),
        ],
    )
    def k(s_hbm, src_hbm, dst_hbm, zeros_hbm, out_hbm, acc, src_v, dst_v, rows_v,
          sems):
        cid = lax.axis_index("core")
        sid = lax.axis_index("subcore")
        wid = cid * NS + sid
        pltpu.sync_copy(zeros_hbm, acc.at[pl.ds(sid * RPT, RPT)])
        pltpu.sync_copy(src_hbm.at[wid, 0], src_v)
        pltpu.sync_copy(dst_hbm.at[wid], dst_v)
        plsc.subcore_barrier()

        def gather_start(j, b):
            pltpu.make_async_copy(s_hbm.at[src_v.at[pl.ds(j * CH, CH)]],
                                  rows_v.at[b], sems.at[b]).start()

        def gather_wait(j, b):
            pltpu.make_async_copy(s_hbm.at[src_v.at[pl.ds(j * CH, CH)]],
                                  rows_v.at[b], sems.at[b]).wait()

        gather_start(0, 0)

        @pl.loop(0, NCHUNK - 1, step=2)
        def _(j):
            for b in (0, 1):
                jj = j + b
                gather_start(jj + 1, 1 - b)
                gather_wait(jj, b)
                pltpu.sync_copy(rows_v.at[b], acc.at[dst_v.at[jj, 0]], add=True)

        gather_wait(NCHUNK - 1, 0)
        pltpu.sync_copy(rows_v.at[0], acc.at[dst_v.at[NCHUNK - 1, 0]], add=True)

        plsc.subcore_barrier()
        pltpu.sync_copy(acc.at[pl.ds(sid * RPT, RPT)],
                        out_hbm.at[cid, pl.ds(sid * RPT, RPT)])

    return k(S, src3, dst4, zeros128)



def _dinv_from_deg(deg_blk):
    deg = deg_blk[0, :, 0] + deg_blk[1, :, 0] + 1.0
    return lax.rsqrt(deg)


def _k1_body(x_ref, w_ref, deg_ref, s_ref):
    xw = jnp.dot(x_ref[...], w_ref[...], preferred_element_type=jnp.float32)
    dinv = _dinv_from_deg(deg_ref)
    s_ref[...] = dinv[:, None] * xw


def _k1(x, W1, deg_p):
    return pl.pallas_call(
        _k1_body,
        grid=(NBLK,),
        in_specs=[
            pl.BlockSpec((BN, D), lambda i: (i, 0)),
            pl.BlockSpec((D, D), lambda i: (0, 0)),
            pl.BlockSpec((NC, BN, 16), lambda i: (0, i, 0)),
        ],
        out_specs=pl.BlockSpec((BN, D), lambda i: (i, 0)),
        out_shape=jax.ShapeDtypeStruct((N, D), jnp.float32),
    )(x, W1, deg_p)


def _k2_body(p_ref, s1_ref, deg_ref, b1_ref, w2_ref, s2_ref):
    dinv = _dinv_from_deg(deg_ref)
    agg = p_ref[0] + p_ref[1] + s1_ref[...]
    h1 = jnp.maximum(dinv[:, None] * agg + b1_ref[...], 0.0)
    xw = jnp.dot(h1, w2_ref[...], preferred_element_type=jnp.float32)
    s2_ref[...] = dinv[:, None] * xw


def _k2(P1, S1, deg_p, b1, W2):
    return pl.pallas_call(
        _k2_body,
        grid=(NBLK,),
        in_specs=[
            pl.BlockSpec((NC, BN, D), lambda i: (0, i, 0)),
            pl.BlockSpec((BN, D), lambda i: (i, 0)),
            pl.BlockSpec((NC, BN, 16), lambda i: (0, i, 0)),
            pl.BlockSpec((1, D), lambda i: (0, 0)),
            pl.BlockSpec((D, D), lambda i: (0, 0)),
        ],
        out_specs=pl.BlockSpec((BN, D), lambda i: (i, 0)),
        out_shape=jax.ShapeDtypeStruct((N, D), jnp.float32),
    )(P1, S1, deg_p, b1, W2)


def _k3_body(p_ref, s2_ref, deg_ref, b2_ref, batch_ref, wfc_ref, bfc_ref,
             out_ref, sums_ref, cnt_ref):
    i = pl.program_id(0)

    @pl.when(i == 0)
    def _():
        sums_ref[...] = jnp.zeros_like(sums_ref)
        cnt_ref[...] = jnp.zeros_like(cnt_ref)

    dinv = _dinv_from_deg(deg_ref)
    agg = p_ref[0] + p_ref[1] + s2_ref[...]
    h2 = dinv[:, None] * agg + b2_ref[...]

    b = batch_ref[0, 0, :]
    gid = lax.broadcasted_iota(jnp.int32, (G, BN), 0)
    M = (gid == b[None, :]).astype(jnp.float32)
    sums_ref[...] += jnp.dot(M, h2, preferred_element_type=jnp.float32)
    cnt_ref[...] += jnp.sum(M, axis=1)[:, None]

    @pl.when(i == NBLK - 1)
    def _():
        mean = sums_ref[...] / jnp.maximum(cnt_ref[...], 1.0)
        out_ref[...] = (jnp.dot(mean, wfc_ref[...],
                                preferred_element_type=jnp.float32)
                        + bfc_ref[...])


def _k3(P2, S2, deg_p, b2, batch3, Wfc, bfc):
    return pl.pallas_call(
        _k3_body,
        grid=(NBLK,),
        in_specs=[
            pl.BlockSpec((NC, BN, D), lambda i: (0, i, 0)),
            pl.BlockSpec((BN, D), lambda i: (i, 0)),
            pl.BlockSpec((NC, BN, 16), lambda i: (0, i, 0)),
            pl.BlockSpec((1, D), lambda i: (0, 0)),
            pl.BlockSpec((1, 1, BN), lambda i: (i, 0, 0)),
            pl.BlockSpec((D, D), lambda i: (0, 0)),
            pl.BlockSpec((1, D), lambda i: (0, 0)),
        ],
        out_specs=pl.BlockSpec((G, D), lambda i: (0, 0)),
        out_shape=jax.ShapeDtypeStruct((G, D), jnp.float32),
        scratch_shapes=[
            pltpu.VMEM((G, D), jnp.float32),
            pltpu.VMEM((G, D), jnp.float32),
        ],
    )(P2, S2, deg_p, b2, batch3, Wfc, bfc)



def kernel(x, edge_index, batch, W1, b1, W2, b2, Wfc, bfc):
    src3 = edge_index[0].reshape(NW, 1, EPW)
    dst4 = edge_index[1].reshape(NW, NCHUNK, 1, CH)
    batch3 = batch.reshape(NBLK, 1, BN)
    ones_rows = jnp.ones((CH, 16), jnp.float32)
    zeros16 = jnp.zeros((RPT, 16), jnp.float32)
    zeros128 = jnp.zeros((RPT, D), jnp.float32)

    deg_p = _deg_kernel(dst4, ones_rows, zeros16)

    S1 = _k1(x, W1, deg_p)
    P1 = _edge_scatter(S1, src3, dst4, zeros128)
    S2 = _k2(P1, S1, deg_p, b1.reshape(1, D), W2)
    P2 = _edge_scatter(S2, src3, dst4, zeros128)
    out = _k3(P2, S2, deg_p, b2.reshape(1, D), batch3, Wfc, bfc.reshape(1, D))
    return (out, batch)

# --- scband reference (transcript-rebuilt; emitter-appended) ---
"""Pipeline reference for scband-gcn-44487271251988 (READ-ONLY COPY).

The authoritative reference and input builder live on the scoring server;
editing this copy changes nothing except your own understanding.
"""

import jax, jax.numpy as jnp
import numpy as np

N = 10000
E = 320000
D_IN = 128
HID = 128
EMB = 128
G = 64


def setup_inputs(seed: int = 0) -> dict:
    key = jax.random.key(seed)
    ks = jax.random.split(key, 10)
    x = jax.random.normal(ks[0], (N, D_IN), dtype=jnp.float32)
    edge_index = jax.random.randint(ks[1], (2, E), 0, N, dtype=jnp.int32)
    batch = jnp.sort(jax.random.randint(ks[2], (N,), 0, G, dtype=jnp.int32))
    W1 = jax.random.normal(ks[3], (D_IN, HID), dtype=jnp.float32) * (1.0 / np.sqrt(D_IN))
    b1 = jnp.zeros((HID,), dtype=jnp.float32)
    W2 = jax.random.normal(ks[4], (HID, HID), dtype=jnp.float32) * (1.0 / np.sqrt(HID))
    b2 = jnp.zeros((HID,), dtype=jnp.float32)
    Wfc = jax.random.normal(ks[5], (HID, EMB), dtype=jnp.float32) * (1.0 / np.sqrt(HID))
    bfc = jnp.zeros((EMB,), dtype=jnp.float32)
    return {"x": x, "edge_index": edge_index, "batch": batch,
            "W1": W1, "b1": b1, "W2": W2, "b2": b2, "Wfc": Wfc, "bfc": bfc}


def _gcn_conv(x, edge_index, W, b):
    # PyG GCNConv: add self-loops, symmetric normalization, then aggregate
    n = x.shape[0]
    loop = jnp.arange(n, dtype=edge_index.dtype)
    src = jnp.concatenate([edge_index[0], loop])
    dst = jnp.concatenate([edge_index[1], loop])
    deg = jax.ops.segment_sum(jnp.ones_like(dst, dtype=x.dtype), dst, num_segments=n)
    dinv = jnp.where(deg > 0, jax.lax.rsqrt(deg), 0.0)
    norm = dinv[src] * dinv[dst]
    xw = x @ W
    msg = xw[src] * norm[:, None]
    out = jax.ops.segment_sum(msg, dst, num_segments=n)
    return out + b


def reference(x, edge_index, batch, W1, b1, W2, b2, Wfc, bfc):
    h = jax.nn.relu(_gcn_conv(x, edge_index, W1, b1))
    # dropout is identity in eval mode
    h = _gcn_conv(h, edge_index, W2, b2)
    # pooling_type == 'none' -> no graph pooling layer applied
    # readout_type == 'mean' -> global_mean_pool over batch assignment
    cnt = jax.ops.segment_sum(jnp.ones((h.shape[0],), dtype=h.dtype), batch, num_segments=G)
    summ = jax.ops.segment_sum(h, batch, num_segments=G)
    mean = summ / jnp.maximum(cnt, 1.0)[:, None]
    out = mean @ Wfc + bfc
    return (out, batch)

if __name__ == "__main__":
    import jax
    _d = setup_inputs()
    print(jax.jit(kernel)(*tuple(_d.values())))

</pallas_src>

<mosaic_0001>
#map = affine_map<(d0, d1) -> (0, 0, 0, 0)>
#map1 = affine_map<(d0, d1) -> (0, 0)>
#map2 = affine_map<(d0, d1) -> (0, 0, 0)>
module attributes {stable_mosaic.version = 14 : i64} {
  func.func @k(%arg0: i32, %arg1: i32, %arg2: memref<32x125x1x80xi32, #tpu.memory_space<hbm>>, %arg3: memref<80x16xf32, #tpu.memory_space<hbm>>, %arg4: memref<640x16xf32, #tpu.memory_space<hbm>>, %arg5: memref<2x10240x16xf32, #tpu.memory_space<hbm>>, %arg6: memref<10240x16xf32, #tpu.memory_space<vmem_shared>>, %arg7: memref<125x1x80xi32, #tpu.memory_space<vmem>>, %arg8: memref<80x16xf32, #tpu.memory_space<vmem>>) attributes {dimension_semantics = [#tpu.dimension_semantics<core_parallel>, #tpu.dimension_semantics<subcore_parallel>], iteration_bounds = array<i64: 2, 16>, scalar_prefetch = 0 : i64, scratch_operands = 3 : i64, tpu.core_type = #tpu.core_type<sc_vector_subcore>, window_params = [{transform_indices = #map}, {transform_indices = #map1}, {transform_indices = #map1}, {transform_indices = #map2}]} {
    %mul3A = arith.constant 16 : i32
    %mul3A_0 = arith.muli %arg0, %mul3A : i32
    %add3A = arith.addi %mul3A_0, %arg1 : i32
    %mul3A_1 = arith.constant 640 : i32
    %mul3A_2 = arith.muli %arg1, %mul3A_1 : i32
    "tpu.region"() ({
      %run_scoped3A = tpu.sem_alloc : memref<!tpu.dma_semaphore, #tpu.memory_space<semaphore_mem>>
      %dma_start3A = arith.constant 0 : i32
      %dma_start3A_12 = tpu.memref_slice %arg6[%mul3A_2, %dma_start3A] : memref<10240x16xf32, #tpu.memory_space<vmem_shared>> -> memref<640x16xf32, #tpu.memory_space<vmem_shared>>
      tpu.enqueue_dma source(%arg4 : memref<640x16xf32, #tpu.memory_space<hbm>>) target(%dma_start3A_12 : memref<640x16xf32, #tpu.memory_space<vmem_shared>>) target_semaphore(%run_scoped3A : memref<!tpu.dma_semaphore, #tpu.memory_space<semaphore_mem>>)
      %dma_wait3A = arith.constant 0 : i32
      %dma_wait3A_13 = tpu.memref_slice %arg6[%mul3A_2, %dma_wait3A] : memref<10240x16xf32, #tpu.memory_space<vmem_shared>> -> memref<640x16xf32, #tpu.memory_space<vmem_shared>>
      tpu.wait_dma2 semaphore(%run_scoped3A : memref<!tpu.dma_semaphore, #tpu.memory_space<semaphore_mem>>) src(%arg4 : memref<640x16xf32, #tpu.memory_space<hbm>>) dst(%dma_wait3A_13 : memref<640x16xf32, #tpu.memory_space<vmem_shared>>)
      tpu.yield
    }) : () -> ()
    "tpu.region"() ({
      %run_scoped3A = tpu.sem_alloc : memref<!tpu.dma_semaphore, #tpu.memory_space<semaphore_mem>>
      tpu.enqueue_dma source(%arg3 : memref<80x16xf32, #tpu.memory_space<hbm>>) target(%arg8 : memref<80x16xf32, #tpu.memory_space<vmem>>) target_semaphore(%run_scoped3A : memref<!tpu.dma_semaphore, #tpu.memory_space<semaphore_mem>>)
      tpu.wait_dma2 semaphore(%run_scoped3A : memref<!tpu.dma_semaphore, #tpu.memory_space<semaphore_mem>>) src(%arg3 : memref<80x16xf32, #tpu.memory_space<hbm>>) dst(%arg8 : memref<80x16xf32, #tpu.memory_space<vmem>>)
      tpu.yield
    }) : () -> ()
    "tpu.region"() ({
      %run_scoped3A = tpu.sem_alloc : memref<!tpu.dma_semaphore, #tpu.memory_space<semaphore_mem>>
      %dma_start3A = arith.constant 0 : i32
      %dma_start3A_12 = arith.constant 0 : i32
      %dma_start3A_13 = arith.constant 0 : i32
      %dma_start3A_14 = tpu.memref_slice %arg2[%add3A, %dma_start3A, %dma_start3A_12, %dma_start3A_13] : memref<32x125x1x80xi32, #tpu.memory_space<hbm>> -> memref<1x125x1x80xi32, #tpu.memory_space<hbm>>
      %dma_start3A_15 = tpu.memref_squeeze %dma_start3A_14 : memref<1x125x1x80xi32, #tpu.memory_space<hbm>> -> memref<125x1x80xi32, #tpu.memory_space<hbm>>
      %dma_start3A_16 = arith.constant 0 : i32
      %dma_start3A_17 = arith.constant 0 : i32
      %dma_start3A_18 = arith.constant 0 : i32
      %dma_start3A_19 = tpu.memref_slice %arg2[%add3A, %dma_start3A_16, %dma_start3A_17, %dma_start3A_18] : memref<32x125x1x80xi32, #tpu.memory_space<hbm>> -> memref<1x125x1x80xi32, #tpu.memory_space<hbm>>
      %dma_start3A_20 = tpu.memref_squeeze %dma_start3A_19 : memref<1x125x1x80xi32, #tpu.memory_space<hbm>> -> memref<125x1x80xi32, #tpu.memory_space<hbm>>
      tpu.enqueue_dma source(%dma_start3A_20 : memref<125x1x80xi32, #tpu.memory_space<hbm>>) target(%arg7 : memref<125x1x80xi32, #tpu.memory_space<vmem>>) target_semaphore(%run_scoped3A : memref<!tpu.dma_semaphore, #tpu.memory_space<semaphore_mem>>)
      %dma_wait3A = arith.constant 0 : i32
      %dma_wait3A_21 = arith.constant 0 : i32
      %dma_wait3A_22 = arith.constant 0 : i32
      %dma_wait3A_23 = tpu.memref_slice %arg2[%add3A, %dma_wait3A, %dma_wait3A_21, %dma_wait3A_22] : memref<32x125x1x80xi32, #tpu.memory_space<hbm>> -> memref<1x125x1x80xi32, #tpu.memory_space<hbm>>
      %dma_wait3A_24 = tpu.memref_squeeze %dma_wait3A_23 : memref<1x125x1x80xi32, #tpu.memory_space<hbm>> -> memref<125x1x80xi32, #tpu.memory_space<hbm>>
      %dma_wait3A_25 = arith.constant 0 : i32
      %dma_wait3A_26 = arith.constant 0 : i32
      %dma_wait3A_27 = arith.constant 0 : i32
      %dma_wait3A_28 = tpu.memref_slice %arg2[%add3A, %dma_wait3A_25, %dma_wait3A_26, %dma_wait3A_27] : memref<32x125x1x80xi32, #tpu.memory_space<hbm>> -> memref<1x125x1x80xi32, #tpu.memory_space<hbm>>
      %dma_wait3A_29 = tpu.memref_squeeze %dma_wait3A_28 : memref<1x125x1x80xi32, #tpu.memory_space<hbm>> -> memref<125x1x80xi32, #tpu.memory_space<hbm>>
      tpu.wait_dma2 semaphore(%run_scoped3A : memref<!tpu.dma_semaphore, #tpu.memory_space<semaphore_mem>>) src(%dma_wait3A_29 : memref<125x1x80xi32, #tpu.memory_space<hbm>>) dst(%arg7 : memref<125x1x80xi32, #tpu.memory_space<vmem>>)
      tpu.yield
    }) : () -> ()
    %barrier3A = arith.constant 0 : index
    tpu.barrier barrier_id(%barrier3A)
    %scan3A = arith.constant 0 : i32
    %scan3A_3 = arith.constant 125 : i32
    %scan3A_4 = arith.addi %scan3A, %scan3A_3 : i32
    %scan3A_5 = arith.constant 1 : i32
    scf.for %scan3A_12 = %scan3A to %scan3A_4 step %scan3A_5  : i32 {
      %mul3A_13 = arith.constant 1 : i32
      %mul3A_14 = arith.muli %scan3A_12, %mul3A_13 : i32
      %add3A_15 = arith.constant 0 : i32
      %add3A_16 = arith.addi %add3A_15, %mul3A_14 : i32
      %run_scoped3A = arith.constant 0 : i32
      "tpu.region"() ({
        %run_scoped3A_17 = tpu.sem_alloc : memref<!tpu.dma_semaphore, #tpu.memory_space<semaphore_mem>>
        %dma_start3A = arith.constant 0 : i32
        %dma_start3A_18 = tpu.memref_slice %arg7[%add3A_16, %run_scoped3A, %dma_start3A] : memref<125x1x80xi32, #tpu.memory_space<vmem>> -> memref<1x1x80xi32, #tpu.memory_space<vmem>>
        %dma_start3A_19 = tpu.memref_squeeze %dma_start3A_18 : memref<1x1x80xi32, #tpu.memory_space<vmem>> -> memref<80xi32, #tpu.memory_space<vmem>>
        %dma_start3A_20 = arith.constant 0 : i32
        %dma_start3A_21 = arith.constant 0 : i32
        %dma_start3A_22 = tpu.memref_slice %arg6[%dma_start3A_20, %dma_start3A_21] : memref<10240x16xf32, #tpu.memory_space<vmem_shared>> -> memref<10240x16xf32, #tpu.memory_space<vmem_shared>>
        tpu.enqueue_indirect_dma source(%arg8 : memref<80x16xf32, #tpu.memory_space<vmem>>) target(%dma_start3A_22 : memref<10240x16xf32, #tpu.memory_space<vmem_shared>>) offsets(%dma_start3A_19 : memref<80xi32, #tpu.memory_space<vmem>>) semaphore(%run_scoped3A_17 : memref<!tpu.dma_semaphore, #tpu.memory_space<semaphore_mem>>) {add = true}
        %dma_wait3A = arith.constant 0 : i32
        %dma_wait3A_23 = tpu.memref_slice %arg7[%add3A_16, %run_scoped3A, %dma_wait3A] : memref<125x1x80xi32, #tpu.memory_space<vmem>> -> memref<1x1x80xi32, #tpu.memory_space<vmem>>
        %dma_wait3A_24 = tpu.memref_squeeze %dma_wait3A_23 : memref<1x1x80xi32, #tpu.memory_space<vmem>> -> memref<80xi32, #tpu.memory_space<vmem>>
        %dma_wait3A_25 = arith.constant 0 : i32
        %dma_wait3A_26 = arith.constant 0 : i32
        %dma_wait3A_27 = tpu.memref_slice %arg6[%dma_wait3A_25, %dma_wait3A_26] : memref<10240x16xf32, #tpu.memory_space<vmem_shared>> -> memref<10240x16xf32, #tpu.memory_space<vmem_shared>>
        tpu.wait_indirect_dma semaphore(%run_scoped3A_17 : memref<!tpu.dma_semaphore, #tpu.memory_space<semaphore_mem>>) src(%arg8 : memref<80x16xf32, #tpu.memory_space<vmem>>) dst(%dma_wait3A_27 : memref<10240x16xf32, #tpu.memory_space<vmem_shared>>)
        tpu.yield
      }) : () -> ()
    }
    %scan3A_6 = arith.constant 125 : i32
    %barrier3A_7 = arith.constant 0 : index
    tpu.barrier barrier_id(%barrier3A_7)
    %mul3A_8 = arith.constant 640 : i32
    %mul3A_9 = arith.muli %arg1, %mul3A_8 : i32
    %mul3A_10 = arith.constant 640 : i32
    %mul3A_11 = arith.muli %arg1, %mul3A_10 : i32
    "tpu.region"() ({
      %run_scoped3A = tpu.sem_alloc : memref<!tpu.dma_semaphore, #tpu.memory_space<semaphore_mem>>
      %dma_start3A = arith.constant 0 : i32
      %dma_start3A_12 = tpu.memref_slice %arg5[%arg0, %mul3A_11, %dma_start3A] : memref<2x10240x16xf32, #tpu.memory_space<hbm>> -> memref<1x640x16xf32, #tpu.memory_space<hbm>>
      %dma_start3A_13 = tpu.memref_squeeze %dma_start3A_12 : memref<1x640x16xf32, #tpu.memory_space<hbm>> -> memref<640x16xf32, #tpu.memory_space<hbm>>
      %dma_start3A_14 = arith.constant 0 : i32
      %dma_start3A_15 = tpu.memref_slice %arg6[%mul3A_9, %dma_start3A_14] : memref<10240x16xf32, #tpu.memory_space<vmem_shared>> -> memref<640x16xf32, #tpu.memory_space<vmem_shared>>
      tpu.enqueue_dma source(%dma_start3A_15 : memref<640x16xf32, #tpu.memory_space<vmem_shared>>) target(%dma_start3A_13 : memref<640x16xf32, #tpu.memory_space<hbm>>) target_semaphore(%run_scoped3A : memref<!tpu.dma_semaphore, #tpu.memory_space<semaphore_mem>>)
      %dma_wait3A = arith.constant 0 : i32
      %dma_wait3A_16 = tpu.memref_slice %arg5[%arg0, %mul3A_11, %dma_wait3A] : memref<2x10240x16xf32, #tpu.memory_space<hbm>> -> memref<1x640x16xf32, #tpu.memory_space<hbm>>
      %dma_wait3A_17 = tpu.memref_squeeze %dma_wait3A_16 : memref<1x640x16xf32, #tpu.memory_space<hbm>> -> memref<640x16xf32, #tpu.memory_space<hbm>>
      %dma_wait3A_18 = arith.constant 0 : i32
      %dma_wait3A_19 = tpu.memref_slice %arg6[%mul3A_9, %dma_wait3A_18] : memref<10240x16xf32, #tpu.memory_space<vmem_shared>> -> memref<640x16xf32, #tpu.memory_space<vmem_shared>>
      tpu.wait_dma2 semaphore(%run_scoped3A : memref<!tpu.dma_semaphore, #tpu.memory_space<semaphore_mem>>) src(%dma_wait3A_19 : memref<640x16xf32, #tpu.memory_space<vmem_shared>>) dst(%dma_wait3A_17 : memref<640x16xf32, #tpu.memory_space<hbm>>)
      tpu.yield
    }) : () -> ()
    return
  }
}

#map = affine_map<(d0, d1) -> (0, 0)>
#map1 = affine_map<(d0, d1) -> (0, 0, 0)>
#map2 = affine_map<(d0, d1) -> (0, 0, 0, 0)>
module attributes {stable_mosaic.version = 14 : i64} {
  func.func @k(%arg0: i32, %arg1: i32, %arg2: memref<10000x128xf32, #tpu.memory_space<hbm>>, %arg3: memref<32x1x10000xi32, #tpu.memory_space<hbm>>, %arg4: memref<32x125x1x80xi32, #tpu.memory_space<hbm>>, %arg5: memref<640x128xf32, #tpu.memory_space<hbm>>, %arg6: memref<2x10240x128xf32, #tpu.memory_space<hbm>>, %arg7: memref<10240x128xf32, #tpu.memory_space<vmem_shared>>, %arg8: memref<10000xi32, #tpu.memory_space<vmem>>, %arg9: memref<125x1x80xi32, #tpu.memory_space<vmem>>, %arg10: memref<2x80x128xf32, #tpu.memory_space<vmem>>, %arg11: memref<2x!tpu.dma_semaphore, #tpu.memory_space<semaphore_mem>>) attributes {dimension_semantics = [#tpu.dimension_semantics<core_parallel>, #tpu.dimension_semantics<subcore_parallel>], iteration_bounds = array<i64: 2, 16>, scalar_prefetch = 0 : i64, scratch_operands = 5 : i64, tpu.core_type = #tpu.core_type<sc_vector_subcore>, window_params = [{transform_indices = #map}, {transform_indices = #map1}, {transform_indices = #map2}, {transform_indices = #map}, {transform_indices = #map1}]} {
    %mul3A = arith.constant 16 : i32
    %mul3A_0 = arith.muli %arg0, %mul3A : i32
    %add3A = arith.addi %mul3A_0, %arg1 : i32
    %mul3A_1 = arith.constant 640 : i32
    %mul3A_2 = arith.muli %arg1, %mul3A_1 : i32
    "tpu.region"() ({
      %run_scoped3A_39 = tpu.sem_alloc : memref<!tpu.dma_semaphore, #tpu.memory_space<semaphore_mem>>
      %dma_start3A_40 = arith.constant 0 : i32
      %dma_start3A_41 = tpu.memref_slice %arg7[%mul3A_2, %dma_start3A_40] : memref<10240x128xf32, #tpu.memory_space<vmem_shared>> -> memref<640x128xf32, #tpu.memory_space<vmem_shared>>
      tpu.enqueue_dma source(%arg5 : memref<640x128xf32, #tpu.memory_space<hbm>>) target(%dma_start3A_41 : memref<640x128xf32, #tpu.memory_space<vmem_shared>>) target_semaphore(%run_scoped3A_39 : memref<!tpu.dma_semaphore, #tpu.memory_space<semaphore_mem>>)
      %dma_wait3A_42 = arith.constant 0 : i32
      %dma_wait3A_43 = tpu.memref_slice %arg7[%mul3A_2, %dma_wait3A_42] : memref<10240x128xf32, #tpu.memory_space<vmem_shared>> -> memref<640x128xf32, #tpu.memory_space<vmem_shared>>
      tpu.wait_dma2 semaphore(%run_scoped3A_39 : memref<!tpu.dma_semaphore, #tpu.memory_space<semaphore_mem>>) src(%arg5 : memref<640x128xf32, #tpu.memory_space<hbm>>) dst(%dma_wait3A_43 : memref<640x128xf32, #tpu.memory_space<vmem_shared>>)
      tpu.yield
    }) : () -> ()
    %run_scoped3A = arith.constant 0 : i32
    "tpu.region"() ({
      %run_scoped3A_39 = tpu.sem_alloc : memref<!tpu.dma_semaphore, #tpu.memory_space<semaphore_mem>>
      %dma_start3A_40 = arith.constant 0 : i32
      %dma_start3A_41 = tpu.memref_slice %arg3[%add3A, %run_scoped3A, %dma_start3A_40] : memref<32x1x10000xi32, #tpu.memory_space<hbm>> -> memref<1x1x10000xi32, #tpu.memory_space<hbm>>
      %dma_start3A_42 = tpu.memref_squeeze %dma_start3A_41 : memref<1x1x10000xi32, #tpu.memory_space<hbm>> -> memref<10000xi32, #tpu.memory_space<hbm>>
      %dma_start3A_43 = arith.constant 0 : i32
      %dma_start3A_44 = tpu.memref_slice %arg3[%add3A, %run_scoped3A, %dma_start3A_43] : memref<32x1x10000xi32, #tpu.memory_space<hbm>> -> memref<1x1x10000xi32, #tpu.memory_space<hbm>>
      %dma_start3A_45 = tpu.memref_squeeze %dma_start3A_44 : memref<1x1x10000xi32, #tpu.memory_space<hbm>> -> memref<10000xi32, #tpu.memory_space<hbm>>
      tpu.enqueue_dma source(%dma_start3A_45 : memref<10000xi32, #tpu.memory_space<hbm>>) target(%arg8 : memref<10000xi32, #tpu.memory_space<vmem>>) target_semaphore(%run_scoped3A_39 : memref<!tpu.dma_semaphore, #tpu.memory_space<semaphore_mem>>)
      %dma_wait3A_46 = arith.constant 0 : i32
      %dma_wait3A_47 = tpu.memref_slice %arg3[%add3A, %run_scoped3A, %dma_wait3A_46] : memref<32x1x10000xi32, #tpu.memory_space<hbm>> -> memref<1x1x10000xi32, #tpu.memory_space<hbm>>
      %dma_wait3A_48 = tpu.memref_squeeze %dma_wait3A_47 : memref<1x1x10000xi32, #tpu.memory_space<hbm>> -> memref<10000xi32, #tpu.memory_space<hbm>>
      %dma_wait3A_49 = arith.constant 0 : i32
      %dma_wait3A_50 = tpu.memref_slice %arg3[%add3A, %run_scoped3A, %dma_wait3A_49] : memref<32x1x10000xi32, #tpu.memory_space<hbm>> -> memref<1x1x10000xi32, #tpu.memory_space<hbm>>
      %dma_wait3A_51 = tpu.memref_squeeze %dma_wait3A_50 : memref<1x1x10000xi32, #tpu.memory_space<hbm>> -> memref<10000xi32, #tpu.memory_space<hbm>>
      tpu.wait_dma2 semaphore(%run_scoped3A_39 : memref<!tpu.dma_semaphore, #tpu.memory_space<semaphore_mem>>) src(%dma_wait3A_51 : memref<10000xi32, #tpu.memory_space<hbm>>) dst(%arg8 : memref<10000xi32, #tpu.memory_space<vmem>>)
      tpu.yield
    }) : () -> ()
    "tpu.region"() ({
      %run_scoped3A_39 = tpu.sem_alloc : memref<!tpu.dma_semaphore, #tpu.memory_space<semaphore_mem>>
      %dma_start3A_40 = arith.constant 0 : i32
      %dma_start3A_41 = arith.constant 0 : i32
      %dma_start3A_42 = arith.constant 0 : i32
      %dma_start3A_43 = tpu.memref_slice %arg4[%add3A, %dma_start3A_40, %dma_start3A_41, %dma_start3A_42] : memref<32x125x1x80xi32, #tpu.memory_space<hbm>> -> memref<1x125x1x80xi32, #tpu.memory_space<hbm>>
      %dma_start3A_44 = tpu.memref_squeeze %dma_start3A_43 : memref<1x125x1x80xi32, #tpu.memory_space<hbm>> -> memref<125x1x80xi32, #tpu.memory_space<hbm>>
      %dma_start3A_45 = arith.constant 0 : i32
      %dma_start3A_46 = arith.constant 0 : i32
      %dma_start3A_47 = arith.constant 0 : i32
      %dma_start3A_48 = tpu.memref_slice %arg4[%add3A, %dma_start3A_45, %dma_start3A_46, %dma_start3A_47] : memref<32x125x1x80xi32, #tpu.memory_space<hbm>> -> memref<1x125x1x80xi32, #tpu.memory_space<hbm>>
      %dma_start3A_49 = tpu.memref_squeeze %dma_start3A_48 : memref<1x125x1x80xi32, #tpu.memory_space<hbm>> -> memref<125x1x80xi32, #tpu.memory_space<hbm>>
      tpu.enqueue_dma source(%dma_start3A_49 : memref<125x1x80xi32, #tpu.memory_space<hbm>>) target(%arg9 : memref<125x1x80xi32, #tpu.memory_space<vmem>>) target_semaphore(%run_scoped3A_39 : memref<!tpu.dma_semaphore, #tpu.memory_space<semaphore_mem>>)
      %dma_wait3A_50 = arith.constant 0 : i32
      %dma_wait3A_51 = arith.constant 0 : i32
      %dma_wait3A_52 = arith.constant 0 : i32
      %dma_wait3A_53 = tpu.memref_slice %arg4[%add3A, %dma_wait3A_50, %dma_wait3A_51, %dma_wait3A_52] : memref<32x125x1x80xi32, #tpu.memory_space<hbm>> -> memref<1x125x1x80xi32, #tpu.memory_space<hbm>>
      %dma_wait3A_54 = tpu.memref_squeeze %dma_wait3A_53 : memref<1x125x1x80xi32, #tpu.memory_space<hbm>> -> memref<125x1x80xi32, #tpu.memory_space<hbm>>
      %dma_wait3A_55 = arith.constant 0 : i32
      %dma_wait3A_56 = arith.constant 0 : i32
      %dma_wait3A_57 = arith.constant 0 : i32
      %dma_wait3A_58 = tpu.memref_slice %arg4[%add3A, %dma_wait3A_55, %dma_wait3A_56, %dma_wait3A_57] : memref<32x125x1x80xi32, #tpu.memory_space<hbm>> -> memref<1x125x1x80xi32, #tpu.memory_space<hbm>>
      %dma_wait3A_59 = tpu.memref_squeeze %dma_wait3A_58 : memref<1x125x1x80xi32, #tpu.memory_space<hbm>> -> memref<125x1x80xi32, #tpu.memory_space<hbm>>
      tpu.wait_dma2 semaphore(%run_scoped3A_39 : memref<!tpu.dma_semaphore, #tpu.memory_space<semaphore_mem>>) src(%dma_wait3A_59 : memref<125x1x80xi32, #tpu.memory_space<hbm>>) dst(%arg9 : memref<125x1x80xi32, #tpu.memory_space<vmem>>)
      tpu.yield
    }) : () -> ()
    %barrier3A = arith.constant 0 : index
    tpu.barrier barrier_id(%barrier3A)
    %dma_start3A = arith.constant 0 : i32
    %dma_start3A_3 = arith.constant 0 : i32
    %dma_start3A_4 = arith.constant 0 : i32
    %dma_start3A_5 = arith.constant 0 : i32
    %dma_start3A_6 = tpu.memref_slice %arg10[%dma_start3A, %dma_start3A_4, %dma_start3A_5] : memref<2x80x128xf32, #tpu.memory_space<vmem>> -> memref<1x80x128xf32, #tpu.memory_space<vmem>>
    %dma_start3A_7 = tpu.memref_squeeze %dma_start3A_6 : memref<1x80x128xf32, #tpu.memory_space<vmem>> -> memref<80x128xf32, #tpu.memory_space<vmem>>
    %dma_start3A_8 = arith.constant 0 : i32
    %dma_start3A_9 = tpu.memref_slice %arg8[%dma_start3A_8] : memref<10000xi32, #tpu.memory_space<vmem>> -> memref<80xi32, #tpu.memory_space<vmem>>
    %dma_start3A_10 = arith.constant 0 : i32
    %dma_start3A_11 = arith.constant 0 : i32
    %dma_start3A_12 = tpu.memref_slice %arg2[%dma_start3A_10, %dma_start3A_11] : memref<10000x128xf32, #tpu.memory_space<hbm>> -> memref<10000x128xf32, #tpu.memory_space<hbm>>
    %dma_start3A_13 = tpu.memref_slice %arg11[%dma_start3A_3] : memref<2x!tpu.dma_semaphore, #tpu.memory_space<semaphore_mem>> -> memref<1x!tpu.dma_semaphore, #tpu.memory_space<semaphore_mem>>
    %dma_start3A_14 = tpu.memref_squeeze %dma_start3A_13 : memref<1x!tpu.dma_semaphore, #tpu.memory_space<semaphore_mem>> -> memref<!tpu.dma_semaphore, #tpu.memory_space<semaphore_mem>>
    tpu.enqueue_indirect_dma source(%dma_start3A_12 : memref<10000x128xf32, #tpu.memory_space<hbm>>) target(%dma_start3A_7 : memref<80x128xf32, #tpu.memory_space<vmem>>) offsets(%dma_start3A_9 : memref<80xi32, #tpu.memory_space<vmem>>) semaphore(%dma_start3A_14 : memref<!tpu.dma_semaphore, #tpu.memory_space<semaphore_mem>>)
    %scan3A = arith.constant 0 : i32
    %scan3A_15 = arith.constant 62 : i32
    %scan3A_16 = arith.addi %scan3A, %scan3A_15 : i32
    %scan3A_17 = arith.constant 1 : i32
    scf.for %scan3A_39 = %scan3A to %scan3A_16 step %scan3A_17  : i32 {
      %mul3A_40 = arith.constant 2 : i32
      %mul3A_41 = arith.muli %scan3A_39, %mul3A_40 : i32
      %add3A_42 = arith.constant 0 : i32
      %add3A_43 = arith.addi %add3A_42, %mul3A_41 : i32
      %add3A_44 = arith.constant 0 : i32
      %add3A_45 = arith.addi %add3A_43, %add3A_44 : i32
      %add3A_46 = arith.constant 1 : i32
      %add3A_47 = arith.addi %add3A_45, %add3A_46 : i32
      %mul3A_48 = arith.constant 80 : i32
      %mul3A_49 = arith.muli %add3A_47, %mul3A_48 : i32
      %dma_start3A_50 = arith.constant 1 : i32
      %dma_start3A_51 = arith.constant 1 : i32
      %dma_start3A_52 = arith.constant 0 : i32
      %dma_start3A_53 = arith.constant 0 : i32
      %dma_start3A_54 = tpu.memref_slice %arg10[%dma_start3A_50, %dma_start3A_52, %dma_start3A_53] : memref<2x80x128xf32, #tpu.memory_space<vmem>> -> memref<1x80x128xf32, #tpu.memory_space<vmem>>
      %dma_start3A_55 = tpu.memref_squeeze %dma_start3A_54 : memref<1x80x128xf32, #tpu.memory_space<vmem>> -> memref<80x128xf32, #tpu.memory_space<vmem>>
      %dma_start3A_56 = tpu.memref_slice %arg8[%mul3A_49] : memref<10000xi32, #tpu.memory_space<vmem>> -> memref<80xi32, #tpu.memory_space<vmem>>
      %dma_start3A_57 = arith.constant 0 : i32
      %dma_start3A_58 = arith.constant 0 : i32
      %dma_start3A_59 = tpu.memref_slice %arg2[%dma_start3A_57, %dma_start3A_58] : memref<10000x128xf32, #tpu.memory_space<hbm>> -> memref<10000x128xf32, #tpu.memory_space<hbm>>
      %dma_start3A_60 = tpu.memref_slice %arg11[%dma_start3A_51] : memref<2x!tpu.dma_semaphore, #tpu.memory_space<semaphore_mem>> -> memref<1x!tpu.dma_semaphore, #tpu.memory_space<semaphore_mem>>
      %dma_start3A_61 = tpu.memref_squeeze %dma_start3A_60 : memref<1x!tpu.dma_semaphore, #tpu.memory_space<semaphore_mem>> -> memref<!tpu.dma_semaphore, #tpu.memory_space<semaphore_mem>>
      tpu.enqueue_indirect_dma source(%dma_start3A_59 : memref<10000x128xf32, #tpu.memory_space<hbm>>) target(%dma_start3A_55 : memref<80x128xf32, #tpu.memory_space<vmem>>) offsets(%dma_start3A_56 : memref<80xi32, #tpu.memory_space<vmem>>) semaphore(%dma_start3A_61 : memref<!tpu.dma_semaphore, #tpu.memory_space<semaphore_mem>>)
      %mul3A_62 = arith.constant 80 : i32
      %mul3A_63 = arith.muli %add3A_45, %mul3A_62 : i32
      %dma_wait3A_64 = arith.constant 0 : i32
      %dma_wait3A_65 = arith.constant 0 : i32
      %dma_wait3A_66 = arith.constant 0 : i32
      %dma_wait3A_67 = arith.constant 0 : i32
      %dma_wait3A_68 = tpu.memref_slice %arg10[%dma_wait3A_64, %dma_wait3A_66, %dma_wait3A_67] : memref<2x80x128xf32, #tpu.memory_space<vmem>> -> memref<1x80x128xf32, #tpu.memory_space<vmem>>
      %dma_wait3A_69 = tpu.memref_squeeze %dma_wait3A_68 : memref<1x80x128xf32, #tpu.memory_space<vmem>> -> memref<80x128xf32, #tpu.memory_space<vmem>>
      %dma_wait3A_70 = tpu.memref_slice %arg8[%mul3A_63] : memref<10000xi32, #tpu.memory_space<vmem>> -> memref<80xi32, #tpu.memory_space<vmem>>
      %dma_wait3A_71 = arith.constant 0 : i32
      %dma_wait3A_72 = arith.constant 0 : i32
      %dma_wait3A_73 = tpu.memref_slice %arg2[%dma_wait3A_71, %dma_wait3A_72] : memref<10000x128xf32, #tpu.memory_space<hbm>> -> memref<10000x128xf32, #tpu.memory_space<hbm>>
      %dma_wait3A_74 = tpu.memref_slice %arg11[%dma_wait3A_65] : memref<2x!tpu.dma_semaphore, #tpu.memory_space<semaphore_mem>> -> memref<1x!tpu.dma_semaphore, #tpu.memory_space<semaphore_mem>>
      %dma_wait3A_75 = tpu.memref_squeeze %dma_wait3A_74 : memref<1x!tpu.dma_semaphore, #tpu.memory_space<semaphore_mem>> -> memref<!tpu.dma_semaphore, #tpu.memory_space<semaphore_mem>>
      tpu.wait_indirect_dma semaphore(%dma_wait3A_75 : memref<!tpu.dma_semaphore, #tpu.memory_space<semaphore_mem>>) src(%dma_wait3A_73 : memref<10000x128xf32, #tpu.memory_space<hbm>>) dst(%dma_wait3A_69 : memref<80x128xf32, #tpu.memory_space<vmem>>)
      %run_scoped3A_76 = arith.constant 0 : i32
      %run_scoped3A_77 = arith.constant 0 : i32
      "tpu.region"() ({
        %run_scoped3A_112 = tpu.sem_alloc : memref<!tpu.dma_semaphore, #tpu.memory_space<semaphore_mem>>
        %dma_start3A_113 = arith.constant 0 : i32
        %dma_start3A_114 = arith.constant 0 : i32
        %dma_start3A_115 = tpu.memref_slice %arg10[%run_scoped3A_76, %dma_start3A_113, %dma_start3A_114] : memref<2x80x128xf32, #tpu.memory_space<vmem>> -> memref<1x80x128xf32, #tpu.memory_space<vmem>>
        %dma_start3A_116 = tpu.memref_squeeze %dma_start3A_115 : memref<1x80x128xf32, #tpu.memory_space<vmem>> -> memref<80x128xf32, #tpu.memory_space<vmem>>
        %dma_start3A_117 = arith.constant 0 : i32
        %dma_start3A_118 = tpu.memref_slice %arg9[%add3A_45, %run_scoped3A_77, %dma_start3A_117] : memref<125x1x80xi32, #tpu.memory_space<vmem>> -> memref<1x1x80xi32, #tpu.memory_space<vmem>>
        %dma_start3A_119 = tpu.memref_squeeze %dma_start3A_118 : memref<1x1x80xi32, #tpu.memory_space<vmem>> -> memref<80xi32, #tpu.memory_space<vmem>>
        %dma_start3A_120 = arith.constant 0 : i32
        %dma_start3A_121 = arith.constant 0 : i32
        %dma_start3A_122 = tpu.memref_slice %arg7[%dma_start3A_120, %dma_start3A_121] : memref<10240x128xf32, #tpu.memory_space<vmem_shared>> -> memref<10240x128xf32, #tpu.memory_space<vmem_shared>>
        tpu.enqueue_indirect_dma source(%dma_start3A_116 : memref<80x128xf32, #tpu.memory_space<vmem>>) target(%dma_start3A_122 : memref<10240x128xf32, #tpu.memory_space<vmem_shared>>) offsets(%dma_start3A_119 : memref<80xi32, #tpu.memory_space<vmem>>) semaphore(%run_scoped3A_112 : memref<!tpu.dma_semaphore, #tpu.memory_space<semaphore_mem>>) {add = true}
        %dma_wait3A_123 = arith.constant 0 : i32
        %dma_wait3A_124 = arith.constant 0 : i32
        %dma_wait3A_125 = tpu.memref_slice %arg10[%run_scoped3A_76, %dma_wait3A_123, %dma_wait3A_124] : memref<2x80x128xf32, #tpu.memory_space<vmem>> -> memref<1x80x128xf32, #tpu.memory_space<vmem>>
        %dma_wait3A_126 = tpu.memref_squeeze %dma_wait3A_125 : memref<1x80x128xf32, #tpu.memory_space<vmem>> -> memref<80x128xf32, #tpu.memory_space<vmem>>
        %dma_wait3A_127 = arith.constant 0 : i32
        %dma_wait3A_128 = tpu.memref_slice %arg9[%add3A_45, %run_scoped3A_77, %dma_wait3A_127] : memref<125x1x80xi32, #tpu.memory_space<vmem>> -> memref<1x1x80xi32, #tpu.memory_space<vmem>>
        %dma_wait3A_129 = tpu.memref_squeeze %dma_wait3A_128 : memref<1x1x80xi32, #tpu.memory_space<vmem>> -> memref<80xi32, #tpu.memory_space<vmem>>
        %dma_wait3A_130 = arith.constant 0 : i32
        %dma_wait3A_131 = arith.constant 0 : i32
        %dma_wait3A_132 = tpu.memref_slice %arg7[%dma_wait3A_130, %dma_wait3A_131] : memref<10240x128xf32, #tpu.memory_space<vmem_shared>> -> memref<10240x128xf32, #tpu.memory_space<vmem_shared>>
        tpu.wait_indirect_dma semaphore(%run_scoped3A_112 : memref<!tpu.dma_semaphore, #tpu.memory_space<semaphore_mem>>) src(%dma_wait3A_126 : memref<80x128xf32, #tpu.memory_space<vmem>>) dst(%dma_wait3A_132 : memref<10240x128xf32, #tpu.memory_space<vmem_shared>>)
        tpu.yield
      }) : () -> ()
      %add3A_78 = arith.constant 1 : i32
      %add3A_79 = arith.addi %add3A_43, %add3A_78 : i32
      %add3A_80 = arith.constant 1 : i32
      %add3A_81 = arith.addi %add3A_79, %add3A_80 : i32
      %mul3A_82 = arith.constant 80 : i32
      %mul3A_83 = arith.muli %add3A_81, %mul3A_82 : i32
      %dma_start3A_84 = arith.constant 0 : i32
      %dma_start3A_85 = arith.constant 0 : i32
      %dma_start3A_86 = arith.constant 0 : i32
      %dma_start3A_87 = arith.constant 0 : i32
      %dma_start3A_88 = tpu.memref_slice %arg10[%dma_start3A_84, %dma_start3A_86, %dma_start3A_87] : memref<2x80x128xf32, #tpu.memory_space<vmem>> -> memref<1x80x128xf32, #tpu.memory_space<vmem>>
      %dma_start3A_89 = tpu.memref_squeeze %dma_start3A_88 : memref<1x80x128xf32, #tpu.memory_space<vmem>> -> memref<80x128xf32, #tpu.memory_space<vmem>>
      %dma_start3A_90 = tpu.memref_slice %arg8[%mul3A_83] : memref<10000xi32, #tpu.memory_space<vmem>> -> memref<80xi32, #tpu.memory_space<vmem>>
      %dma_start3A_91 = arith.constant 0 : i32
      %dma_start3A_92 = arith.constant 0 : i32
      %dma_start3A_93 = tpu.memref_slice %arg2[%dma_start3A_91, %dma_start3A_92] : memref<10000x128xf32, #tpu.memory_space<hbm>> -> memref<10000x128xf32, #tpu.memory_space<hbm>>
      %dma_start3A_94 = tpu.memref_slice %arg11[%dma_start3A_85] : memref<2x!tpu.dma_semaphore, #tpu.memory_space<semaphore_mem>> -> memref<1x!tpu.dma_semaphore, #tpu.memory_space<semaphore_mem>>
      %dma_start3A_95 = tpu.memref_squeeze %dma_start3A_94 : memref<1x!tpu.dma_semaphore, #tpu.memory_space<semaphore_mem>> -> memref<!tpu.dma_semaphore, #tpu.memory_space<semaphore_mem>>
      tpu.enqueue_indirect_dma source(%dma_start3A_93 : memref<10000x128xf32, #tpu.memory_space<hbm>>) target(%dma_start3A_89 : memref<80x128xf32, #tpu.memory_space<vmem>>) offsets(%dma_start3A_90 : memref<80xi32, #tpu.memory_space<vmem>>) semaphore(%dma_start3A_95 : memref<!tpu.dma_semaphore, #tpu.memory_space<semaphore_mem>>)
      %mul3A_96 = arith.constant 80 : i32
      %mul3A_97 = arith.muli %add3A_79, %mul3A_96 : i32
      %dma_wait3A_98 = arith.constant 1 : i32
      %dma_wait3A_99 = arith.constant 1 : i32
      %dma_wait3A_100 = arith.constant 0 : i32
      %dma_wait3A_101 = arith.constant 0 : i32
      %dma_wait3A_102 = tpu.memref_slice %arg10[%dma_wait3A_98, %dma_wait3A_100, %dma_wait3A_101] : memref<2x80x128xf32, #tpu.memory_space<vmem>> -> memref<1x80x128xf32, #tpu.memory_space<vmem>>
      %dma_wait3A_103 = tpu.memref_squeeze %dma_wait3A_102 : memref<1x80x128xf32, #tpu.memory_space<vmem>> -> memref<80x128xf32, #tpu.memory_space<vmem>>
      %dma_wait3A_104 = tpu.memref_slice %arg8[%mul3A_97] : memref<10000xi32, #tpu.memory_space<vmem>> -> memref<80xi32, #tpu.memory_space<vmem>>
      %dma_wait3A_105 = arith.constant 0 : i32
      %dma_wait3A_106 = arith.constant 0 : i32
      %dma_wait3A_107 = tpu.memref_slice %arg2[%dma_wait3A_105, %dma_wait3A_106] : memref<10000x128xf32, #tpu.memory_space<hbm>> -> memref<10000x128xf32, #tpu.memory_space<hbm>>
      %dma_wait3A_108 = tpu.memref_slice %arg11[%dma_wait3A_99] : memref<2x!tpu.dma_semaphore, #tpu.memory_space<semaphore_mem>> -> memref<1x!tpu.dma_semaphore, #tpu.memory_space<semaphore_mem>>
      %dma_wait3A_109 = tpu.memref_squeeze %dma_wait3A_108 : memref<1x!tpu.dma_semaphore, #tpu.memory_space<semaphore_mem>> -> memref<!tpu.dma_semaphore, #tpu.memory_space<semaphore_mem>>
      tpu.wait_indirect_dma semaphore(%dma_wait3A_109 : memref<!tpu.dma_semaphore, #tpu.memory_space<semaphore_mem>>) src(%dma_wait3A_107 : memref<10000x128xf32, #tpu.memory_space<hbm>>) dst(%dma_wait3A_103 : memref<80x128xf32, #tpu.memory_space<vmem>>)
      %run_scoped3A_110 = arith.constant 1 : i32
      %run_scoped3A_111 = arith.constant 0 : i32
      "tpu.region"() ({
        %run_scoped3A_112 = tpu.sem_alloc : memref<!tpu.dma_semaphore, #tpu.memory_space<semaphore_mem>>
        %dma_start3A_113 = arith.constant 0 : i32
        %dma_start3A_114 = arith.constant 0 : i32
        %dma_start3A_115 = tpu.memref_slice %arg10[%run_scoped3A_110, %dma_start3A_113, %dma_start3A_114] : memref<2x80x128xf32, #tpu.memory_space<vmem>> -> memref<1x80x128xf32, #tpu.memory_space<vmem>>
        %dma_start3A_116 = tpu.memref_squeeze %dma_start3A_115 : memref<1x80x128xf32, #tpu.memory_space<vmem>> -> memref<80x128xf32, #tpu.memory_space<vmem>>
        %dma_start3A_117 = arith.constant 0 : i32
        %dma_start3A_118 = tpu.memref_slice %arg9[%add3A_79, %run_scoped3A_111, %dma_start3A_117] : memref<125x1x80xi32, #tpu.memory_space<vmem>> -> memref<1x1x80xi32, #tpu.memory_space<vmem>>
        %dma_start3A_119 = tpu.memref_squeeze %dma_start3A_118 : memref<1x1x80xi32, #tpu.memory_space<vmem>> -> memref<80xi32, #tpu.memory_space<vmem>>
        %dma_start3A_120 = arith.constant 0 : i32
        %dma_start3A_121 = arith.constant 0 : i32
        %dma_start3A_122 = tpu.memref_slice %arg7[%dma_start3A_120, %dma_start3A_121] : memref<10240x128xf32, #tpu.memory_space<vmem_shared>> -> memref<10240x128xf32, #tpu.memory_space<vmem_shared>>
        tpu.enqueue_indirect_dma source(%dma_start3A_116 : memref<80x128xf32, #tpu.memory_space<vmem>>) target(%dma_start3A_122 : memref<10240x128xf32, #tpu.memory_space<vmem_shared>>) offsets(%dma_start3A_119 : memref<80xi32, #tpu.memory_space<vmem>>) semaphore(%run_scoped3A_112 : memref<!tpu.dma_semaphore, #tpu.memory_space<semaphore_mem>>) {add = true}
        %dma_wait3A_123 = arith.constant 0 : i32
        %dma_wait3A_124 = arith.constant 0 : i32
        %dma_wait3A_125 = tpu.memref_slice %arg10[%run_scoped3A_110, %dma_wait3A_123, %dma_wait3A_124] : memref<2x80x128xf32, #tpu.memory_space<vmem>> -> memref<1x80x128xf32, #tpu.memory_space<vmem>>
        %dma_wait3A_126 = tpu.memref_squeeze %dma_wait3A_125 : memref<1x80x128xf32, #tpu.memory_space<vmem>> -> memref<80x128xf32, #tpu.memory_space<vmem>>
        %dma_wait3A_127 = arith.constant 0 : i32
        %dma_wait3A_128 = tpu.memref_slice %arg9[%add3A_79, %run_scoped3A_111, %dma_wait3A_127] : memref<125x1x80xi32, #tpu.memory_space<vmem>> -> memref<1x1x80xi32, #tpu.memory_space<vmem>>
        %dma_wait3A_129 = tpu.memref_squeeze %dma_wait3A_128 : memref<1x1x80xi32, #tpu.memory_space<vmem>> -> memref<80xi32, #tpu.memory_space<vmem>>
        %dma_wait3A_130 = arith.constant 0 : i32
        %dma_wait3A_131 = arith.constant 0 : i32
        %dma_wait3A_132 = tpu.memref_slice %arg7[%dma_wait3A_130, %dma_wait3A_131] : memref<10240x128xf32, #tpu.memory_space<vmem_shared>> -> memref<10240x128xf32, #tpu.memory_space<vmem_shared>>
        tpu.wait_indirect_dma semaphore(%run_scoped3A_112 : memref<!tpu.dma_semaphore, #tpu.memory_space<semaphore_mem>>) src(%dma_wait3A_126 : memref<80x128xf32, #tpu.memory_space<vmem>>) dst(%dma_wait3A_132 : memref<10240x128xf32, #tpu.memory_space<vmem_shared>>)
        tpu.yield
      }) : () -> ()
    }
    %scan3A_18 = arith.constant 62 : i32
    %dma_wait3A = arith.constant 0 : i32
    %dma_wait3A_19 = arith.constant 0 : i32
    %dma_wait3A_20 = arith.constant 0 : i32
    %dma_wait3A_21 = arith.constant 0 : i32
    %dma_wait3A_22 = tpu.memref_slice %arg10[%dma_wait3A, %dma_wait3A_20, %dma_wait3A_21] : memref<2x80x128xf32, #tpu.memory_space<vmem>> -> memref<1x80x128xf32, #tpu.memory_space<vmem>>
    %dma_wait3A_23 = tpu.memref_squeeze %dma_wait3A_22 : memref<1x80x128xf32, #tpu.memory_space<vmem>> -> memref<80x128xf32, #tpu.memory_space<vmem>>
    %dma_wait3A_24 = arith.constant 9920 : i32
    %dma_wait3A_25 = tpu.memref_slice %arg8[%dma_wait3A_24] : memref<10000xi32, #tpu.memory_space<vmem>> -> memref<80xi32, #tpu.memory_space<vmem>>
    %dma_wait3A_26 = arith.constant 0 : i32
    %dma_wait3A_27 = arith.constant 0 : i32
    %dma_wait3A_28 = tpu.memref_slice %arg2[%dma_wait3A_26, %dma_wait3A_27] : memref<10000x128xf32, #tpu.memory_space<hbm>> -> memref<10000x128xf32, #tpu.memory_space<hbm>>
    %dma_wait3A_29 = tpu.memref_slice %arg11[%dma_wait3A_19] : memref<2x!tpu.dma_semaphore, #tpu.memory_space<semaphore_mem>> -> memref<1x!tpu.dma_semaphore, #tpu.memory_space<semaphore_mem>>
    %dma_wait3A_30 = tpu.memref_squeeze %dma_wait3A_29 : memref<1x!tpu.dma_semaphore, #tpu.memory_space<semaphore_mem>> -> memref<!tpu.dma_semaphore, #tpu.memory_space<semaphore_mem>>
    tpu.wait_indirect_dma semaphore(%dma_wait3A_30 : memref<!tpu.dma_semaphore, #tpu.memory_space<semaphore_mem>>) src(%dma_wait3A_28 : memref<10000x128xf32, #tpu.memory_space<hbm>>) dst(%dma_wait3A_23 : memref<80x128xf32, #tpu.memory_space<vmem>>)
    %run_scoped3A_31 = arith.constant 0 : i32
    %run_scoped3A_32 = arith.constant 124 : i32
    %run_scoped3A_33 = arith.constant 0 : i32
    "tpu.region"() ({
      %run_scoped3A_39 = tpu.sem_alloc : memref<!tpu.dma_semaphore, #tpu.memory_space<semaphore_mem>>
      %dma_start3A_40 = arith.constant 0 : i32
      %dma_start3A_41 = arith.constant 0 : i32
      %dma_start3A_42 = tpu.memref_slice %arg10[%run_scoped3A_31, %dma_start3A_40, %dma_start3A_41] : memref<2x80x128xf32, #tpu.memory_space<vmem>> -> memref<1x80x128xf32, #tpu.memory_space<vmem>>
      %dma_start3A_43 = tpu.memref_squeeze %dma_start3A_42 : memref<1x80x128xf32, #tpu.memory_space<vmem>> -> memref<80x128xf32, #tpu.memory_space<vmem>>
      %dma_start3A_44 = arith.constant 0 : i32
      %dma_start3A_45 = tpu.memref_slice %arg9[%run_scoped3A_32, %run_scoped3A_33, %dma_start3A_44] : memref<125x1x80xi32, #tpu.memory_space<vmem>> -> memref<1x1x80xi32, #tpu.memory_space<vmem>>
      %dma_start3A_46 = tpu.memref_squeeze %dma_start3A_45 : memref<1x1x80xi32, #tpu.memory_space<vmem>> -> memref<80xi32, #tpu.memory_space<vmem>>
      %dma_start3A_47 = arith.constant 0 : i32
      %dma_start3A_48 = arith.constant 0 : i32
      %dma_start3A_49 = tpu.memref_slice %arg7[%dma_start3A_47, %dma_start3A_48] : memref<10240x128xf32, #tpu.memory_space<vmem_shared>> -> memref<10240x128xf32, #tpu.memory_space<vmem_shared>>
      tpu.enqueue_indirect_dma source(%dma_start3A_43 : memref<80x128xf32, #tpu.memory_space<vmem>>) target(%dma_start3A_49 : memref<10240x128xf32, #tpu.memory_space<vmem_shared>>) offsets(%dma_start3A_46 : memref<80xi32, #tpu.memory_space<vmem>>) semaphore(%run_scoped3A_39 : memref<!tpu.dma_semaphore, #tpu.memory_space<semaphore_mem>>) {add = true}
      %dma_wait3A_50 = arith.constant 0 : i32
      %dma_wait3A_51 = arith.constant 0 : i32
      %dma_wait3A_52 = tpu.memref_slice %arg10[%run_scoped3A_31, %dma_wait3A_50, %dma_wait3A_51] : memref<2x80x128xf32, #tpu.memory_space<vmem>> -> memref<1x80x128xf32, #tpu.memory_space<vmem>>
      %dma_wait3A_53 = tpu.memref_squeeze %dma_wait3A_52 : memref<1x80x128xf32, #tpu.memory_space<vmem>> -> memref<80x128xf32, #tpu.memory_space<vmem>>
      %dma_wait3A_54 = arith.constant 0 : i32
      %dma_wait3A_55 = tpu.memref_slice %arg9[%run_scoped3A_32, %run_scoped3A_33, %dma_wait3A_54] : memref<125x1x80xi32, #tpu.memory_space<vmem>> -> memref<1x1x80xi32, #tpu.memory_space<vmem>>
      %dma_wait3A_56 = tpu.memref_squeeze %dma_wait3A_55 : memref<1x1x80xi32, #tpu.memory_space<vmem>> -> memref<80xi32, #tpu.memory_space<vmem>>
      %dma_wait3A_57 = arith.constant 0 : i32
      %dma_wait3A_58 = arith.constant 0 : i32
      %dma_wait3A_59 = tpu.memref_slice %arg7[%dma_wait3A_57, %dma_wait3A_58] : memref<10240x128xf32, #tpu.memory_space<vmem_shared>> -> memref<10240x128xf32, #tpu.memory_space<vmem_shared>>
      tpu.wait_indirect_dma semaphore(%run_scoped3A_39 : memref<!tpu.dma_semaphore, #tpu.memory_space<semaphore_mem>>) src(%dma_wait3A_53 : memref<80x128xf32, #tpu.memory_space<vmem>>) dst(%dma_wait3A_59 : memref<10240x128xf32, #tpu.memory_space<vmem_shared>>)
      tpu.yield
    }) : () -> ()
    %barrier3A_34 = arith.constant 0 : index
    tpu.barrier barrier_id(%barrier3A_34)
    %mul3A_35 = arith.constant 640 : i32
    %mul3A_36 = arith.muli %arg1, %mul3A_35 : i32
    %mul3A_37 = arith.constant 640 : i32
    %mul3A_38 = arith.muli %arg1, %mul3A_37 : i32
    "tpu.region"() ({
      %run_scoped3A_39 = tpu.sem_alloc : memref<!tpu.dma_semaphore, #tpu.memory_space<semaphore_mem>>
      %dma_start3A_40 = arith.constant 0 : i32
      %dma_start3A_41 = tpu.memref_slice %arg6[%arg0, %mul3A_38, %dma_start3A_40] : memref<2x10240x128xf32, #tpu.memory_space<hbm>> -> memref<1x640x128xf32, #tpu.memory_space<hbm>>
      %dma_start3A_42 = tpu.memref_squeeze %dma_start3A_41 : memref<1x640x128xf32, #tpu.memory_space<hbm>> -> memref<640x128xf32, #tpu.memory_space<hbm>>
      %dma_start3A_43 = arith.constant 0 : i32
      %dma_start3A_44 = tpu.memref_slice %arg7[%mul3A_36, %dma_start3A_43] : memref<10240x128xf32, #tpu.memory_space<vmem_shared>> -> memref<640x128xf32, #tpu.memory_space<vmem_shared>>
      tpu.enqueue_dma source(%dma_start3A_44 : memref<640x128xf32, #tpu.memory_space<vmem_shared>>) target(%dma_start3A_42 : memref<640x128xf32, #tpu.memory_space<hbm>>) target_semaphore(%run_scoped3A_39 : memref<!tpu.dma_semaphore, #tpu.memory_space<semaphore_mem>>)
      %dma_wait3A_45 = arith.constant 0 : i32
      %dma_wait3A_46 = tpu.memref_slice %arg6[%arg0, %mul3A_38, %dma_wait3A_45] : memref<2x10240x128xf32, #tpu.memory_space<hbm>> -> memref<1x640x128xf32, #tpu.memory_space<hbm>>
      %dma_wait3A_47 = tpu.memref_squeeze %dma_wait3A_46 : memref<1x640x128xf32, #tpu.memory_space<hbm>> -> memref<640x128xf32, #tpu.memory_space<hbm>>
      %dma_wait3A_48 = arith.constant 0 : i32
      %dma_wait3A_49 = tpu.memref_slice %arg7[%mul3A_36, %dma_wait3A_48] : memref<10240x128xf32, #tpu.memory_space<vmem_shared>> -> memref<640x128xf32, #tpu.memory_space<vmem_shared>>
      tpu.wait_dma2 semaphore(%run_scoped3A_39 : memref<!tpu.dma_semaphore, #tpu.memory_space<semaphore_mem>>) src(%dma_wait3A_49 : memref<640x128xf32, #tpu.memory_space<vmem_shared>>) dst(%dma_wait3A_47 : memref<640x128xf32, #tpu.memory_space<hbm>>)
      tpu.yield
    }) : () -> ()
    return
  }
}

#map = affine_map<(d0, d1) -> (0, 0)>
#map1 = affine_map<(d0, d1) -> (0, 0, 0)>
#map2 = affine_map<(d0, d1) -> (0, 0, 0, 0)>
module attributes {stable_mosaic.version = 14 : i64} {
  func.func @k(%arg0: i32, %arg1: i32, %arg2: memref<10000x128xf32, #tpu.memory_space<hbm>>, %arg3: memref<32x1x10000xi32, #tpu.memory_space<hbm>>, %arg4: memref<32x125x1x80xi32, #tpu.memory_space<hbm>>, %arg5: memref<640x128xf32, #tpu.memory_space<hbm>>, %arg6: memref<2x10240x128xf32, #tpu.memory_space<hbm>>, %arg7: memref<10240x128xf32, #tpu.memory_space<vmem_shared>>, %arg8: memref<10000xi32, #tpu.memory_space<vmem>>, %arg9: memref<125x1x80xi32, #tpu.memory_space<vmem>>, %arg10: memref<2x80x128xf32, #tpu.memory_space<vmem>>, %arg11: memref<2x!tpu.dma_semaphore, #tpu.memory_space<semaphore_mem>>) attributes {dimension_semantics = [#tpu.dimension_semantics<core_parallel>, #tpu.dimension_semantics<subcore_parallel>], iteration_bounds = array<i64: 2, 16>, scalar_prefetch = 0 : i64, scratch_operands = 5 : i64, tpu.core_type = #tpu.core_type<sc_vector_subcore>, window_params = [{transform_indices = #map}, {transform_indices = #map1}, {transform_indices = #map2}, {transform_indices = #map}, {transform_indices = #map1}]} {
    %mul3A = arith.constant 16 : i32
    %mul3A_0 = arith.muli %arg0, %mul3A : i32
    %add3A = arith.addi %mul3A_0, %arg1 : i32
    %mul3A_1 = arith.constant 640 : i32
    %mul3A_2 = arith.muli %arg1, %mul3A_1 : i32
    "tpu.region"() ({
      %run_scoped3A_39 = tpu.sem_alloc : memref<!tpu.dma_semaphore, #tpu.memory_space<semaphore_mem>>
      %dma_start3A_40 = arith.constant 0 : i32
      %dma_start3A_41 = tpu.memref_slice %arg7[%mul3A_2, %dma_start3A_40] : memref<10240x128xf32, #tpu.memory_space<vmem_shared>> -> memref<640x128xf32, #tpu.memory_space<vmem_shared>>
      tpu.enqueue_dma source(%arg5 : memref<640x128xf32, #tpu.memory_space<hbm>>) target(%dma_start3A_41 : memref<640x128xf32, #tpu.memory_space<vmem_shared>>) target_semaphore(%run_scoped3A_39 : memref<!tpu.dma_semaphore, #tpu.memory_space<semaphore_mem>>)
      %dma_wait3A_42 = arith.constant 0 : i32
      %dma_wait3A_43 = tpu.memref_slice %arg7[%mul3A_2, %dma_wait3A_42] : memref<10240x128xf32, #tpu.memory_space<vmem_shared>> -> memref<640x128xf32, #tpu.memory_space<vmem_shared>>
      tpu.wait_dma2 semaphore(%run_scoped3A_39 : memref<!tpu.dma_semaphore, #tpu.memory_space<semaphore_mem>>) src(%arg5 : memref<640x128xf32, #tpu.memory_space<hbm>>) dst(%dma_wait3A_43 : memref<640x128xf32, #tpu.memory_space<vmem_shared>>)
      tpu.yield
    }) : () -> ()
    %run_scoped3A = arith.constant 0 : i32
    "tpu.region"() ({
      %run_scoped3A_39 = tpu.sem_alloc : memref<!tpu.dma_semaphore, #tpu.memory_space<semaphore_mem>>
      %dma_start3A_40 = arith.constant 0 : i32
      %dma_start3A_41 = tpu.memref_slice %arg3[%add3A, %run_scoped3A, %dma_start3A_40] : memref<32x1x10000xi32, #tpu.memory_space<hbm>> -> memref<1x1x10000xi32, #tpu.memory_space<hbm>>
      %dma_start3A_42 = tpu.memref_squeeze %dma_start3A_41 : memref<1x1x10000xi32, #tpu.memory_space<hbm>> -> memref<10000xi32, #tpu.memory_space<hbm>>
      %dma_start3A_43 = arith.constant 0 : i32
      %dma_start3A_44 = tpu.memref_slice %arg3[%add3A, %run_scoped3A, %dma_start3A_43] : memref<32x1x10000xi32, #tpu.memory_space<hbm>> -> memref<1x1x10000xi32, #tpu.memory_space<hbm>>
      %dma_start3A_45 = tpu.memref_squeeze %dma_start3A_44 : memref<1x1x10000xi32, #tpu.memory_space<hbm>> -> memref<10000xi32, #tpu.memory_space<hbm>>
      tpu.enqueue_dma source(%dma_start3A_45 : memref<10000xi32, #tpu.memory_space<hbm>>) target(%arg8 : memref<10000xi32, #tpu.memory_space<vmem>>) target_semaphore(%run_scoped3A_39 : memref<!tpu.dma_semaphore, #tpu.memory_space<semaphore_mem>>)
      %dma_wait3A_46 = arith.constant 0 : i32
      %dma_wait3A_47 = tpu.memref_slice %arg3[%add3A, %run_scoped3A, %dma_wait3A_46] : memref<32x1x10000xi32, #tpu.memory_space<hbm>> -> memref<1x1x10000xi32, #tpu.memory_space<hbm>>
      %dma_wait3A_48 = tpu.memref_squeeze %dma_wait3A_47 : memref<1x1x10000xi32, #tpu.memory_space<hbm>> -> memref<10000xi32, #tpu.memory_space<hbm>>
      %dma_wait3A_49 = arith.constant 0 : i32
      %dma_wait3A_50 = tpu.memref_slice %arg3[%add3A, %run_scoped3A, %dma_wait3A_49] : memref<32x1x10000xi32, #tpu.memory_space<hbm>> -> memref<1x1x10000xi32, #tpu.memory_space<hbm>>
      %dma_wait3A_51 = tpu.memref_squeeze %dma_wait3A_50 : memref<1x1x10000xi32, #tpu.memory_space<hbm>> -> memref<10000xi32, #tpu.memory_space<hbm>>
      tpu.wait_dma2 semaphore(%run_scoped3A_39 : memref<!tpu.dma_semaphore, #tpu.memory_space<semaphore_mem>>) src(%dma_wait3A_51 : memref<10000xi32, #tpu.memory_space<hbm>>) dst(%arg8 : memref<10000xi32, #tpu.memory_space<vmem>>)
      tpu.yield
    }) : () -> ()
    "tpu.region"() ({
      %run_scoped3A_39 = tpu.sem_alloc : memref<!tpu.dma_semaphore, #tpu.memory_space<semaphore_mem>>
      %dma_start3A_40 = arith.constant 0 : i32
      %dma_start3A_41 = arith.constant 0 : i32
      %dma_start3A_42 = arith.constant 0 : i32
      %dma_start3A_43 = tpu.memref_slice %arg4[%add3A, %dma_start3A_40, %dma_start3A_41, %dma_start3A_42] : memref<32x125x1x80xi32, #tpu.memory_space<hbm>> -> memref<1x125x1x80xi32, #tpu.memory_space<hbm>>
      %dma_start3A_44 = tpu.memref_squeeze %dma_start3A_43 : memref<1x125x1x80xi32, #tpu.memory_space<hbm>> -> memref<125x1x80xi32, #tpu.memory_space<hbm>>
      %dma_start3A_45 = arith.constant 0 : i32
      %dma_start3A_46 = arith.constant 0 : i32
      %dma_start3A_47 = arith.constant 0 : i32
      %dma_start3A_48 = tpu.memref_slice %arg4[%add3A, %dma_start3A_45, %dma_start3A_46, %dma_start3A_47] : memref<32x125x1x80xi32, #tpu.memory_space<hbm>> -> memref<1x125x1x80xi32, #tpu.memory_space<hbm>>
      %dma_start3A_49 = tpu.memref_squeeze %dma_start3A_48 : memref<1x125x1x80xi32, #tpu.memory_space<hbm>> -> memref<125x1x80xi32, #tpu.memory_space<hbm>>
      tpu.enqueue_dma source(%dma_start3A_49 : memref<125x1x80xi32, #tpu.memory_space<hbm>>) target(%arg9 : memref<125x1x80xi32, #tpu.memory_space<vmem>>) target_semaphore(%run_scoped3A_39 : memref<!tpu.dma_semaphore, #tpu.memory_space<semaphore_mem>>)
      %dma_wait3A_50 = arith.constant 0 : i32
      %dma_wait3A_51 = arith.constant 0 : i32
      %dma_wait3A_52 = arith.constant 0 : i32
      %dma_wait3A_53 = tpu.memref_slice %arg4[%add3A, %dma_wait3A_50, %dma_wait3A_51, %dma_wait3A_52] : memref<32x125x1x80xi32, #tpu.memory_space<hbm>> -> memref<1x125x1x80xi32, #tpu.memory_space<hbm>>
      %dma_wait3A_54 = tpu.memref_squeeze %dma_wait3A_53 : memref<1x125x1x80xi32, #tpu.memory_space<hbm>> -> memref<125x1x80xi32, #tpu.memory_space<hbm>>
      %dma_wait3A_55 = arith.constant 0 : i32
      %dma_wait3A_56 = arith.constant 0 : i32
      %dma_wait3A_57 = arith.constant 0 : i32
      %dma_wait3A_58 = tpu.memref_slice %arg4[%add3A, %dma_wait3A_55, %dma_wait3A_56, %dma_wait3A_57] : memref<32x125x1x80xi32, #tpu.memory_space<hbm>> -> memref<1x125x1x80xi32, #tpu.memory_space<hbm>>
      %dma_wait3A_59 = tpu.memref_squeeze %dma_wait3A_58 : memref<1x125x1x80xi32, #tpu.memory_space<hbm>> -> memref<125x1x80xi32, #tpu.memory_space<hbm>>
      tpu.wait_dma2 semaphore(%run_scoped3A_39 : memref<!tpu.dma_semaphore, #tpu.memory_space<semaphore_mem>>) src(%dma_wait3A_59 : memref<125x1x80xi32, #tpu.memory_space<hbm>>) dst(%arg9 : memref<125x1x80xi32, #tpu.memory_space<vmem>>)
      tpu.yield
    }) : () -> ()
    %barrier3A = arith.constant 0 : index
    tpu.barrier barrier_id(%barrier3A)
    %dma_start3A = arith.constant 0 : i32
    %dma_start3A_3 = arith.constant 0 : i32
    %dma_start3A_4 = arith.constant 0 : i32
    %dma_start3A_5 = arith.constant 0 : i32
    %dma_start3A_6 = tpu.memref_slice %arg10[%dma_start3A, %dma_start3A_4, %dma_start3A_5] : memref<2x80x128xf32, #tpu.memory_space<vmem>> -> memref<1x80x128xf32, #tpu.memory_space<vmem>>
    %dma_start3A_7 = tpu.memref_squeeze %dma_start3A_6 : memref<1x80x128xf32, #tpu.memory_space<vmem>> -> memref<80x128xf32, #tpu.memory_space<vmem>>
    %dma_start3A_8 = arith.constant 0 : i32
    %dma_start3A_9 = tpu.memref_slice %arg8[%dma_start3A_8] : memref<10000xi32, #tpu.memory_space<vmem>> -> memref<80xi32, #tpu.memory_space<vmem>>
    %dma_start3A_10 = arith.constant 0 : i32
    %dma_start3A_11 = arith.constant 0 : i32
    %dma_start3A_12 = tpu.memref_slice %arg2[%dma_start3A_10, %dma_start3A_11] : memref<10000x128xf32, #tpu.memory_space<hbm>> -> memref<10000x128xf32, #tpu.memory_space<hbm>>
    %dma_start3A_13 = tpu.memref_slice %arg11[%dma_start3A_3] : memref<2x!tpu.dma_semaphore, #tpu.memory_space<semaphore_mem>> -> memref<1x!tpu.dma_semaphore, #tpu.memory_space<semaphore_mem>>
    %dma_start3A_14 = tpu.memref_squeeze %dma_start3A_13 : memref<1x!tpu.dma_semaphore, #tpu.memory_space<semaphore_mem>> -> memref<!tpu.dma_semaphore, #tpu.memory_space<semaphore_mem>>
    tpu.enqueue_indirect_dma source(%dma_start3A_12 : memref<10000x128xf32, #tpu.memory_space<hbm>>) target(%dma_start3A_7 : memref<80x128xf32, #tpu.memory_space<vmem>>) offsets(%dma_start3A_9 : memref<80xi32, #tpu.memory_space<vmem>>) semaphore(%dma_start3A_14 : memref<!tpu.dma_semaphore, #tpu.memory_space<semaphore_mem>>)
    %scan3A = arith.constant 0 : i32
    %scan3A_15 = arith.constant 62 : i32
    %scan3A_16 = arith.addi %scan3A, %scan3A_15 : i32
    %scan3A_17 = arith.constant 1 : i32
    scf.for %scan3A_39 = %scan3A to %scan3A_16 step %scan3A_17  : i32 {
      %mul3A_40 = arith.constant 2 : i32
      %mul3A_41 = arith.muli %scan3A_39, %mul3A_40 : i32
      %add3A_42 = arith.constant 0 : i32
      %add3A_43 = arith.addi %add3A_42, %mul3A_41 : i32
      %add3A_44 = arith.constant 0 : i32
      %add3A_45 = arith.addi %add3A_43, %add3A_44 : i32
      %add3A_46 = arith.constant 1 : i32
      %add3A_47 = arith.addi %add3A_45, %add3A_46 : i32
      %mul3A_48 = arith.constant 80 : i32
      %mul3A_49 = arith.muli %add3A_47, %mul3A_48 : i32
      %dma_start3A_50 = arith.constant 1 : i32
      %dma_start3A_51 = arith.constant 1 : i32
      %dma_start3A_52 = arith.constant 0 : i32
      %dma_start3A_53 = arith.constant 0 : i32
      %dma_start3A_54 = tpu.memref_slice %arg10[%dma_start3A_50, %dma_start3A_52, %dma_start3A_53] : memref<2x80x128xf32, #tpu.memory_space<vmem>> -> memref<1x80x128xf32, #tpu.memory_space<vmem>>
      %dma_start3A_55 = tpu.memref_squeeze %dma_start3A_54 : memref<1x80x128xf32, #tpu.memory_space<vmem>> -> memref<80x128xf32, #tpu.memory_space<vmem>>
      %dma_start3A_56 = tpu.memref_slice %arg8[%mul3A_49] : memref<10000xi32, #tpu.memory_space<vmem>> -> memref<80xi32, #tpu.memory_space<vmem>>
      %dma_start3A_57 = arith.constant 0 : i32
      %dma_start3A_58 = arith.constant 0 : i32
      %dma_start3A_59 = tpu.memref_slice %arg2[%dma_start3A_57, %dma_start3A_58] : memref<10000x128xf32, #tpu.memory_space<hbm>> -> memref<10000x128xf32, #tpu.memory_space<hbm>>
      %dma_start3A_60 = tpu.memref_slice %arg11[%dma_start3A_51] : memref<2x!tpu.dma_semaphore, #tpu.memory_space<semaphore_mem>> -> memref<1x!tpu.dma_semaphore, #tpu.memory_space<semaphore_mem>>
      %dma_start3A_61 = tpu.memref_squeeze %dma_start3A_60 : memref<1x!tpu.dma_semaphore, #tpu.memory_space<semaphore_mem>> -> memref<!tpu.dma_semaphore, #tpu.memory_space<semaphore_mem>>
      tpu.enqueue_indirect_dma source(%dma_start3A_59 : memref<10000x128xf32, #tpu.memory_space<hbm>>) target(%dma_start3A_55 : memref<80x128xf32, #tpu.memory_space<vmem>>) offsets(%dma_start3A_56 : memref<80xi32, #tpu.memory_space<vmem>>) semaphore(%dma_start3A_61 : memref<!tpu.dma_semaphore, #tpu.memory_space<semaphore_mem>>)
      %mul3A_62 = arith.constant 80 : i32
      %mul3A_63 = arith.muli %add3A_45, %mul3A_62 : i32
      %dma_wait3A_64 = arith.constant 0 : i32
      %dma_wait3A_65 = arith.constant 0 : i32
      %dma_wait3A_66 = arith.constant 0 : i32
      %dma_wait3A_67 = arith.constant 0 : i32
      %dma_wait3A_68 = tpu.memref_slice %arg10[%dma_wait3A_64, %dma_wait3A_66, %dma_wait3A_67] : memref<2x80x128xf32, #tpu.memory_space<vmem>> -> memref<1x80x128xf32, #tpu.memory_space<vmem>>
      %dma_wait3A_69 = tpu.memref_squeeze %dma_wait3A_68 : memref<1x80x128xf32, #tpu.memory_space<vmem>> -> memref<80x128xf32, #tpu.memory_space<vmem>>
      %dma_wait3A_70 = tpu.memref_slice %arg8[%mul3A_63] : memref<10000xi32, #tpu.memory_space<vmem>> -> memref<80xi32, #tpu.memory_space<vmem>>
      %dma_wait3A_71 = arith.constant 0 : i32
      %dma_wait3A_72 = arith.constant 0 : i32
      %dma_wait3A_73 = tpu.memref_slice %arg2[%dma_wait3A_71, %dma_wait3A_72] : memref<10000x128xf32, #tpu.memory_space<hbm>> -> memref<10000x128xf32, #tpu.memory_space<hbm>>
      %dma_wait3A_74 = tpu.memref_slice %arg11[%dma_wait3A_65] : memref<2x!tpu.dma_semaphore, #tpu.memory_space<semaphore_mem>> -> memref<1x!tpu.dma_semaphore, #tpu.memory_space<semaphore_mem>>
      %dma_wait3A_75 = tpu.memref_squeeze %dma_wait3A_74 : memref<1x!tpu.dma_semaphore, #tpu.memory_space<semaphore_mem>> -> memref<!tpu.dma_semaphore, #tpu.memory_space<semaphore_mem>>
      tpu.wait_indirect_dma semaphore(%dma_wait3A_75 : memref<!tpu.dma_semaphore, #tpu.memory_space<semaphore_mem>>) src(%dma_wait3A_73 : memref<10000x128xf32, #tpu.memory_space<hbm>>) dst(%dma_wait3A_69 : memref<80x128xf32, #tpu.memory_space<vmem>>)
      %run_scoped3A_76 = arith.constant 0 : i32
      %run_scoped3A_77 = arith.constant 0 : i32
      "tpu.region"() ({
        %run_scoped3A_112 = tpu.sem_alloc : memref<!tpu.dma_semaphore, #tpu.memory_space<semaphore_mem>>
        %dma_start3A_113 = arith.constant 0 : i32
        %dma_start3A_114 = arith.constant 0 : i32
        %dma_start3A_115 = tpu.memref_slice %arg10[%run_scoped3A_76, %dma_start3A_113, %dma_start3A_114] : memref<2x80x128xf32, #tpu.memory_space<vmem>> -> memref<1x80x128xf32, #tpu.memory_space<vmem>>
        %dma_start3A_116 = tpu.memref_squeeze %dma_start3A_115 : memref<1x80x128xf32, #tpu.memory_space<vmem>> -> memref<80x128xf32, #tpu.memory_space<vmem>>
        %dma_start3A_117 = arith.constant 0 : i32
        %dma_start3A_118 = tpu.memref_slice %arg9[%add3A_45, %run_scoped3A_77, %dma_start3A_117] : memref<125x1x80xi32, #tpu.memory_space<vmem>> -> memref<1x1x80xi32, #tpu.memory_space<vmem>>
        %dma_start3A_119 = tpu.memref_squeeze %dma_start3A_118 : memref<1x1x80xi32, #tpu.memory_space<vmem>> -> memref<80xi32, #tpu.memory_space<vmem>>
        %dma_start3A_120 = arith.constant 0 : i32
        %dma_start3A_121 = arith.constant 0 : i32
        %dma_start3A_122 = tpu.memref_slice %arg7[%dma_start3A_120, %dma_start3A_121] : memref<10240x128xf32, #tpu.memory_space<vmem_shared>> -> memref<10240x128xf32, #tpu.memory_space<vmem_shared>>
        tpu.enqueue_indirect_dma source(%dma_start3A_116 : memref<80x128xf32, #tpu.memory_space<vmem>>) target(%dma_start3A_122 : memref<10240x128xf32, #tpu.memory_space<vmem_shared>>) offsets(%dma_start3A_119 : memref<80xi32, #tpu.memory_space<vmem>>) semaphore(%run_scoped3A_112 : memref<!tpu.dma_semaphore, #tpu.memory_space<semaphore_mem>>) {add = true}
        %dma_wait3A_123 = arith.constant 0 : i32
        %dma_wait3A_124 = arith.constant 0 : i32
        %dma_wait3A_125 = tpu.memref_slice %arg10[%run_scoped3A_76, %dma_wait3A_123, %dma_wait3A_124] : memref<2x80x128xf32, #tpu.memory_space<vmem>> -> memref<1x80x128xf32, #tpu.memory_space<vmem>>
        %dma_wait3A_126 = tpu.memref_squeeze %dma_wait3A_125 : memref<1x80x128xf32, #tpu.memory_space<vmem>> -> memref<80x128xf32, #tpu.memory_space<vmem>>
        %dma_wait3A_127 = arith.constant 0 : i32
        %dma_wait3A_128 = tpu.memref_slice %arg9[%add3A_45, %run_scoped3A_77, %dma_wait3A_127] : memref<125x1x80xi32, #tpu.memory_space<vmem>> -> memref<1x1x80xi32, #tpu.memory_space<vmem>>
        %dma_wait3A_129 = tpu.memref_squeeze %dma_wait3A_128 : memref<1x1x80xi32, #tpu.memory_space<vmem>> -> memref<80xi32, #tpu.memory_space<vmem>>
        %dma_wait3A_130 = arith.constant 0 : i32
        %dma_wait3A_131 = arith.constant 0 : i32
        %dma_wait3A_132 = tpu.memref_slice %arg7[%dma_wait3A_130, %dma_wait3A_131] : memref<10240x128xf32, #tpu.memory_space<vmem_shared>> -> memref<10240x128xf32, #tpu.memory_space<vmem_shared>>
        tpu.wait_indirect_dma semaphore(%run_scoped3A_112 : memref<!tpu.dma_semaphore, #tpu.memory_space<semaphore_mem>>) src(%dma_wait3A_126 : memref<80x128xf32, #tpu.memory_space<vmem>>) dst(%dma_wait3A_132 : memref<10240x128xf32, #tpu.memory_space<vmem_shared>>)
        tpu.yield
      }) : () -> ()
      %add3A_78 = arith.constant 1 : i32
      %add3A_79 = arith.addi %add3A_43, %add3A_78 : i32
      %add3A_80 = arith.constant 1 : i32
      %add3A_81 = arith.addi %add3A_79, %add3A_80 : i32
      %mul3A_82 = arith.constant 80 : i32
      %mul3A_83 = arith.muli %add3A_81, %mul3A_82 : i32
      %dma_start3A_84 = arith.constant 0 : i32
      %dma_start3A_85 = arith.constant 0 : i32
      %dma_start3A_86 = arith.constant 0 : i32
      %dma_start3A_87 = arith.constant 0 : i32
      %dma_start3A_88 = tpu.memref_slice %arg10[%dma_start3A_84, %dma_start3A_86, %dma_start3A_87] : memref<2x80x128xf32, #tpu.memory_space<vmem>> -> memref<1x80x128xf32, #tpu.memory_space<vmem>>
      %dma_start3A_89 = tpu.memref_squeeze %dma_start3A_88 : memref<1x80x128xf32, #tpu.memory_space<vmem>> -> memref<80x128xf32, #tpu.memory_space<vmem>>
      %dma_start3A_90 = tpu.memref_slice %arg8[%mul3A_83] : memref<10000xi32, #tpu.memory_space<vmem>> -> memref<80xi32, #tpu.memory_space<vmem>>
      %dma_start3A_91 = arith.constant 0 : i32
      %dma_start3A_92 = arith.constant 0 : i32
      %dma_start3A_93 = tpu.memref_slice %arg2[%dma_start3A_91, %dma_start3A_92] : memref<10000x128xf32, #tpu.memory_space<hbm>> -> memref<10000x128xf32, #tpu.memory_space<hbm>>
      %dma_start3A_94 = tpu.memref_slice %arg11[%dma_start3A_85] : memref<2x!tpu.dma_semaphore, #tpu.memory_space<semaphore_mem>> -> memref<1x!tpu.dma_semaphore, #tpu.memory_space<semaphore_mem>>
      %dma_start3A_95 = tpu.memref_squeeze %dma_start3A_94 : memref<1x!tpu.dma_semaphore, #tpu.memory_space<semaphore_mem>> -> memref<!tpu.dma_semaphore, #tpu.memory_space<semaphore_mem>>
      tpu.enqueue_indirect_dma source(%dma_start3A_93 : memref<10000x128xf32, #tpu.memory_space<hbm>>) target(%dma_start3A_89 : memref<80x128xf32, #tpu.memory_space<vmem>>) offsets(%dma_start3A_90 : memref<80xi32, #tpu.memory_space<vmem>>) semaphore(%dma_start3A_95 : memref<!tpu.dma_semaphore, #tpu.memory_space<semaphore_mem>>)
      %mul3A_96 = arith.constant 80 : i32
      %mul3A_97 = arith.muli %add3A_79, %mul3A_96 : i32
      %dma_wait3A_98 = arith.constant 1 : i32
      %dma_wait3A_99 = arith.constant 1 : i32
      %dma_wait3A_100 = arith.constant 0 : i32
      %dma_wait3A_101 = arith.constant 0 : i32
      %dma_wait3A_102 = tpu.memref_slice %arg10[%dma_wait3A_98, %dma_wait3A_100, %dma_wait3A_101] : memref<2x80x128xf32, #tpu.memory_space<vmem>> -> memref<1x80x128xf32, #tpu.memory_space<vmem>>
      %dma_wait3A_103 = tpu.memref_squeeze %dma_wait3A_102 : memref<1x80x128xf32, #tpu.memory_space<vmem>> -> memref<80x128xf32, #tpu.memory_space<vmem>>
      %dma_wait3A_104 = tpu.memref_slice %arg8[%mul3A_97] : memref<10000xi32, #tpu.memory_space<vmem>> -> memref<80xi32, #tpu.memory_space<vmem>>
      %dma_wait3A_105 = arith.constant 0 : i32
      %dma_wait3A_106 = arith.constant 0 : i32
      %dma_wait3A_107 = tpu.memref_slice %arg2[%dma_wait3A_105, %dma_wait3A_106] : memref<10000x128xf32, #tpu.memory_space<hbm>> -> memref<10000x128xf32, #tpu.memory_space<hbm>>
      %dma_wait3A_108 = tpu.memref_slice %arg11[%dma_wait3A_99] : memref<2x!tpu.dma_semaphore, #tpu.memory_space<semaphore_mem>> -> memref<1x!tpu.dma_semaphore, #tpu.memory_space<semaphore_mem>>
      %dma_wait3A_109 = tpu.memref_squeeze %dma_wait3A_108 : memref<1x!tpu.dma_semaphore, #tpu.memory_space<semaphore_mem>> -> memref<!tpu.dma_semaphore, #tpu.memory_space<semaphore_mem>>
      tpu.wait_indirect_dma semaphore(%dma_wait3A_109 : memref<!tpu.dma_semaphore, #tpu.memory_space<semaphore_mem>>) src(%dma_wait3A_107 : memref<10000x128xf32, #tpu.memory_space<hbm>>) dst(%dma_wait3A_103 : memref<80x128xf32, #tpu.memory_space<vmem>>)
      %run_scoped3A_110 = arith.constant 1 : i32
      %run_scoped3A_111 = arith.constant 0 : i32
      "tpu.region"() ({
        %run_scoped3A_112 = tpu.sem_alloc : memref<!tpu.dma_semaphore, #tpu.memory_space<semaphore_mem>>
        %dma_start3A_113 = arith.constant 0 : i32
        %dma_start3A_114 = arith.constant 0 : i32
        %dma_start3A_115 = tpu.memref_slice %arg10[%run_scoped3A_110, %dma_start3A_113, %dma_start3A_114] : memref<2x80x128xf32, #tpu.memory_space<vmem>> -> memref<1x80x128xf32, #tpu.memory_space<vmem>>
        %dma_start3A_116 = tpu.memref_squeeze %dma_start3A_115 : memref<1x80x128xf32, #tpu.memory_space<vmem>> -> memref<80x128xf32, #tpu.memory_space<vmem>>
        %dma_start3A_117 = arith.constant 0 : i32
        %dma_start3A_118 = tpu.memref_slice %arg9[%add3A_79, %run_scoped3A_111, %dma_start3A_117] : memref<125x1x80xi32, #tpu.memory_space<vmem>> -> memref<1x1x80xi32, #tpu.memory_space<vmem>>
        %dma_start3A_119 = tpu.memref_squeeze %dma_start3A_118 : memref<1x1x80xi32, #tpu.memory_space<vmem>> -> memref<80xi32, #tpu.memory_space<vmem>>
        %dma_start3A_120 = arith.constant 0 : i32
        %dma_start3A_121 = arith.constant 0 : i32
        %dma_start3A_122 = tpu.memref_slice %arg7[%dma_start3A_120, %dma_start3A_121] : memref<10240x128xf32, #tpu.memory_space<vmem_shared>> -> memref<10240x128xf32, #tpu.memory_space<vmem_shared>>
        tpu.enqueue_indirect_dma source(%dma_start3A_116 : memref<80x128xf32, #tpu.memory_space<vmem>>) target(%dma_start3A_122 : memref<10240x128xf32, #tpu.memory_space<vmem_shared>>) offsets(%dma_start3A_119 : memref<80xi32, #tpu.memory_space<vmem>>) semaphore(%run_scoped3A_112 : memref<!tpu.dma_semaphore, #tpu.memory_space<semaphore_mem>>) {add = true}
        %dma_wait3A_123 = arith.constant 0 : i32
        %dma_wait3A_124 = arith.constant 0 : i32
        %dma_wait3A_125 = tpu.memref_slice %arg10[%run_scoped3A_110, %dma_wait3A_123, %dma_wait3A_124] : memref<2x80x128xf32, #tpu.memory_space<vmem>> -> memref<1x80x128xf32, #tpu.memory_space<vmem>>
        %dma_wait3A_126 = tpu.memref_squeeze %dma_wait3A_125 : memref<1x80x128xf32, #tpu.memory_space<vmem>> -> memref<80x128xf32, #tpu.memory_space<vmem>>
        %dma_wait3A_127 = arith.constant 0 : i32
        %dma_wait3A_128 = tpu.memref_slice %arg9[%add3A_79, %run_scoped3A_111, %dma_wait3A_127] : memref<125x1x80xi32, #tpu.memory_space<vmem>> -> memref<1x1x80xi32, #tpu.memory_space<vmem>>
        %dma_wait3A_129 = tpu.memref_squeeze %dma_wait3A_128 : memref<1x1x80xi32, #tpu.memory_space<vmem>> -> memref<80xi32, #tpu.memory_space<vmem>>
        %dma_wait3A_130 = arith.constant 0 : i32
        %dma_wait3A_131 = arith.constant 0 : i32
        %dma_wait3A_132 = tpu.memref_slice %arg7[%dma_wait3A_130, %dma_wait3A_131] : memref<10240x128xf32, #tpu.memory_space<vmem_shared>> -> memref<10240x128xf32, #tpu.memory_space<vmem_shared>>
        tpu.wait_indirect_dma semaphore(%run_scoped3A_112 : memref<!tpu.dma_semaphore, #tpu.memory_space<semaphore_mem>>) src(%dma_wait3A_126 : memref<80x128xf32, #tpu.memory_space<vmem>>) dst(%dma_wait3A_132 : memref<10240x128xf32, #tpu.memory_space<vmem_shared>>)
        tpu.yield
      }) : () -> ()
    }
    %scan3A_18 = arith.constant 62 : i32
    %dma_wait3A = arith.constant 0 : i32
    %dma_wait3A_19 = arith.constant 0 : i32
    %dma_wait3A_20 = arith.constant 0 : i32
    %dma_wait3A_21 = arith.constant 0 : i32
    %dma_wait3A_22 = tpu.memref_slice %arg10[%dma_wait3A, %dma_wait3A_20, %dma_wait3A_21] : memref<2x80x128xf32, #tpu.memory_space<vmem>> -> memref<1x80x128xf32, #tpu.memory_space<vmem>>
    %dma_wait3A_23 = tpu.memref_squeeze %dma_wait3A_22 : memref<1x80x128xf32, #tpu.memory_space<vmem>> -> memref<80x128xf32, #tpu.memory_space<vmem>>
    %dma_wait3A_24 = arith.constant 9920 : i32
    %dma_wait3A_25 = tpu.memref_slice %arg8[%dma_wait3A_24] : memref<10000xi32, #tpu.memory_space<vmem>> -> memref<80xi32, #tpu.memory_space<vmem>>
    %dma_wait3A_26 = arith.constant 0 : i32
    %dma_wait3A_27 = arith.constant 0 : i32
    %dma_wait3A_28 = tpu.memref_slice %arg2[%dma_wait3A_26, %dma_wait3A_27] : memref<10000x128xf32, #tpu.memory_space<hbm>> -> memref<10000x128xf32, #tpu.memory_space<hbm>>
    %dma_wait3A_29 = tpu.memref_slice %arg11[%dma_wait3A_19] : memref<2x!tpu.dma_semaphore, #tpu.memory_space<semaphore_mem>> -> memref<1x!tpu.dma_semaphore, #tpu.memory_space<semaphore_mem>>
    %dma_wait3A_30 = tpu.memref_squeeze %dma_wait3A_29 : memref<1x!tpu.dma_semaphore, #tpu.memory_space<semaphore_mem>> -> memref<!tpu.dma_semaphore, #tpu.memory_space<semaphore_mem>>
    tpu.wait_indirect_dma semaphore(%dma_wait3A_30 : memref<!tpu.dma_semaphore, #tpu.memory_space<semaphore_mem>>) src(%dma_wait3A_28 : memref<10000x128xf32, #tpu.memory_space<hbm>>) dst(%dma_wait3A_23 : memref<80x128xf32, #tpu.memory_space<vmem>>)
    %run_scoped3A_31 = arith.constant 0 : i32
    %run_scoped3A_32 = arith.constant 124 : i32
    %run_scoped3A_33 = arith.constant 0 : i32
    "tpu.region"() ({
      %run_scoped3A_39 = tpu.sem_alloc : memref<!tpu.dma_semaphore, #tpu.memory_space<semaphore_mem>>
      %dma_start3A_40 = arith.constant 0 : i32
      %dma_start3A_41 = arith.constant 0 : i32
      %dma_start3A_42 = tpu.memref_slice %arg10[%run_scoped3A_31, %dma_start3A_40, %dma_start3A_41] : memref<2x80x128xf32, #tpu.memory_space<vmem>> -> memref<1x80x128xf32, #tpu.memory_space<vmem>>
      %dma_start3A_43 = tpu.memref_squeeze %dma_start3A_42 : memref<1x80x128xf32, #tpu.memory_space<vmem>> -> memref<80x128xf32, #tpu.memory_space<vmem>>
      %dma_start3A_44 = arith.constant 0 : i32
      %dma_start3A_45 = tpu.memref_slice %arg9[%run_scoped3A_32, %run_scoped3A_33, %dma_start3A_44] : memref<125x1x80xi32, #tpu.memory_space<vmem>> -> memref<1x1x80xi32, #tpu.memory_space<vmem>>
      %dma_start3A_46 = tpu.memref_squeeze %dma_start3A_45 : memref<1x1x80xi32, #tpu.memory_space<vmem>> -> memref<80xi32, #tpu.memory_space<vmem>>
      %dma_start3A_47 = arith.constant 0 : i32
      %dma_start3A_48 = arith.constant 0 : i32
      %dma_start3A_49 = tpu.memref_slice %arg7[%dma_start3A_47, %dma_start3A_48] : memref<10240x128xf32, #tpu.memory_space<vmem_shared>> -> memref<10240x128xf32, #tpu.memory_space<vmem_shared>>
      tpu.enqueue_indirect_dma source(%dma_start3A_43 : memref<80x128xf32, #tpu.memory_space<vmem>>) target(%dma_start3A_49 : memref<10240x128xf32, #tpu.memory_space<vmem_shared>>) offsets(%dma_start3A_46 : memref<80xi32, #tpu.memory_space<vmem>>) semaphore(%run_scoped3A_39 : memref<!tpu.dma_semaphore, #tpu.memory_space<semaphore_mem>>) {add = true}
      %dma_wait3A_50 = arith.constant 0 : i32
      %dma_wait3A_51 = arith.constant 0 : i32
      %dma_wait3A_52 = tpu.memref_slice %arg10[%run_scoped3A_31, %dma_wait3A_50, %dma_wait3A_51] : memref<2x80x128xf32, #tpu.memory_space<vmem>> -> memref<1x80x128xf32, #tpu.memory_space<vmem>>
      %dma_wait3A_53 = tpu.memref_squeeze %dma_wait3A_52 : memref<1x80x128xf32, #tpu.memory_space<vmem>> -> memref<80x128xf32, #tpu.memory_space<vmem>>
      %dma_wait3A_54 = arith.constant 0 : i32
      %dma_wait3A_55 = tpu.memref_slice %arg9[%run_scoped3A_32, %run_scoped3A_33, %dma_wait3A_54] : memref<125x1x80xi32, #tpu.memory_space<vmem>> -> memref<1x1x80xi32, #tpu.memory_space<vmem>>
      %dma_wait3A_56 = tpu.memref_squeeze %dma_wait3A_55 : memref<1x1x80xi32, #tpu.memory_space<vmem>> -> memref<80xi32, #tpu.memory_space<vmem>>
      %dma_wait3A_57 = arith.constant 0 : i32
      %dma_wait3A_58 = arith.constant 0 : i32
      %dma_wait3A_59 = tpu.memref_slice %arg7[%dma_wait3A_57, %dma_wait3A_58] : memref<10240x128xf32, #tpu.memory_space<vmem_shared>> -> memref<10240x128xf32, #tpu.memory_space<vmem_shared>>
      tpu.wait_indirect_dma semaphore(%run_scoped3A_39 : memref<!tpu.dma_semaphore, #tpu.memory_space<semaphore_mem>>) src(%dma_wait3A_53 : memref<80x128xf32, #tpu.memory_space<vmem>>) dst(%dma_wait3A_59 : memref<10240x128xf32, #tpu.memory_space<vmem_shared>>)
      tpu.yield
    }) : () -> ()
    %barrier3A_34 = arith.constant 0 : index
    tpu.barrier barrier_id(%barrier3A_34)
    %mul3A_35 = arith.constant 640 : i32
    %mul3A_36 = arith.muli %arg1, %mul3A_35 : i32
    %mul3A_37 = arith.constant 640 : i32
    %mul3A_38 = arith.muli %arg1, %mul3A_37 : i32
    "tpu.region"() ({
      %run_scoped3A_39 = tpu.sem_alloc : memref<!tpu.dma_semaphore, #tpu.memory_space<semaphore_mem>>
      %dma_start3A_40 = arith.constant 0 : i32
      %dma_start3A_41 = tpu.memref_slice %arg6[%arg0, %mul3A_38, %dma_start3A_40] : memref<2x10240x128xf32, #tpu.memory_space<hbm>> -> memref<1x640x128xf32, #tpu.memory_space<hbm>>
      %dma_start3A_42 = tpu.memref_squeeze %dma_start3A_41 : memref<1x640x128xf32, #tpu.memory_space<hbm>> -> memref<640x128xf32, #tpu.memory_space<hbm>>
      %dma_start3A_43 = arith.constant 0 : i32
      %dma_start3A_44 = tpu.memref_slice %arg7[%mul3A_36, %dma_start3A_43] : memref<10240x128xf32, #tpu.memory_space<vmem_shared>> -> memref<640x128xf32, #tpu.memory_space<vmem_shared>>
      tpu.enqueue_dma source(%dma_start3A_44 : memref<640x128xf32, #tpu.memory_space<vmem_shared>>) target(%dma_start3A_42 : memref<640x128xf32, #tpu.memory_space<hbm>>) target_semaphore(%run_scoped3A_39 : memref<!tpu.dma_semaphore, #tpu.memory_space<semaphore_mem>>)
      %dma_wait3A_45 = arith.constant 0 : i32
      %dma_wait3A_46 = tpu.memref_slice %arg6[%arg0, %mul3A_38, %dma_wait3A_45] : memref<2x10240x128xf32, #tpu.memory_space<hbm>> -> memref<1x640x128xf32, #tpu.memory_space<hbm>>
      %dma_wait3A_47 = tpu.memref_squeeze %dma_wait3A_46 : memref<1x640x128xf32, #tpu.memory_space<hbm>> -> memref<640x128xf32, #tpu.memory_space<hbm>>
      %dma_wait3A_48 = arith.constant 0 : i32
      %dma_wait3A_49 = tpu.memref_slice %arg7[%mul3A_36, %dma_wait3A_48] : memref<10240x128xf32, #tpu.memory_space<vmem_shared>> -> memref<640x128xf32, #tpu.memory_space<vmem_shared>>
      tpu.wait_dma2 semaphore(%run_scoped3A_39 : memref<!tpu.dma_semaphore, #tpu.memory_space<semaphore_mem>>) src(%dma_wait3A_49 : memref<640x128xf32, #tpu.memory_space<vmem_shared>>) dst(%dma_wait3A_47 : memref<640x128xf32, #tpu.memory_space<hbm>>)
      tpu.yield
    }) : () -> ()
    return
  }
}

module attributes {stable_mosaic.version = 14 : i64} {
  func.func @_k1_body(%arg0: i32, %arg1: memref<1000x128xf32, #tpu.memory_space<vmem>>, %arg2: memref<128x128xf32, #tpu.memory_space<vmem>>, %arg3: memref<2x1000x16xf32, #tpu.memory_space<vmem>>, %arg4: memref<1000x128xf32, #tpu.memory_space<vmem>>) attributes {dimension_semantics = [#tpu.dimension_semantics<arbitrary>], iteration_bounds = array<i64: 10>, scalar_prefetch = 0 : i64, scratch_operands = 0 : i64, tpu.core_type = #tpu.core_type<tc>, window_params = [{transform_indices = @transform_0, window_bounds = array<i64: 1000, 128>}, {pipeline_mode = #tpu.pipeline_mode<synchronous>, transform_indices = @transform_1, window_bounds = array<i64: 128, 128>}, {transform_indices = @transform_2, window_bounds = array<i64: 2, 1000, 16>}, {transform_indices = @transform_3, window_bounds = array<i64: 1000, 128>}]} {
    %get3A = arith.constant 0 : index
    %get3A_0 = arith.constant 0 : index
    %get3A_1 = vector.load %arg1[%get3A, %get3A_0] : memref<1000x128xf32, #tpu.memory_space<vmem>>, vector<1000x128xf32>
    %get3A_2 = arith.constant 0 : index
    %get3A_3 = arith.constant 0 : index
    %get3A_4 = vector.load %arg2[%get3A_2, %get3A_3] : memref<128x128xf32, #tpu.memory_space<vmem>>, vector<128x128xf32>
    %dot_general3A = arith.constant dense<0.000000e+00> : vector<1000x128xf32>
    %dot_general3A_5 = tpu.matmul %get3A_1, %get3A_4, %dot_general3A {dimension_numbers = #tpu.dot_dimension_numbers<[1], [0], [0], [1], [0, 0, 1, 1], [], []>, transpose_lhs_hint = false} : vector<1000x128xf32>, vector<128x128xf32>, vector<1000x128xf32> -> vector<1000x128xf32>
    %get3A_6 = arith.constant 0 : index
    %get3A_7 = arith.constant 0 : index
    %get3A_8 = arith.constant 0 : index
    %get3A_9 = vector.load %arg3[%get3A_6, %get3A_7, %get3A_8] : memref<2x1000x16xf32, #tpu.memory_space<vmem>>, vector<1x1000x1xf32>
    %get3A_10 = vector.shape_cast %get3A_9 : vector<1x1000x1xf32> to vector<1000xf32>
    %get3A_11 = arith.constant 1 : index
    %get3A_12 = arith.constant 0 : index
    %get3A_13 = arith.constant 0 : index
    %get3A_14 = vector.load %arg3[%get3A_11, %get3A_12, %get3A_13] : memref<2x1000x16xf32, #tpu.memory_space<vmem>>, vector<1x1000x1xf32>
    %get3A_15 = vector.shape_cast %get3A_14 : vector<1x1000x1xf32> to vector<1000xf32>
    %add3A = arith.addf %get3A_10, %get3A_15 : vector<1000xf32>
    %add3A_16 = arith.constant 1.000000e+00 : f32
    %add3A_17 = vector.broadcast %add3A_16 : f32 to vector<1000xf32>
    %add3A_18 = arith.addf %add3A, %add3A_17 : vector<1000xf32>
    %rsqrt3A = math.rsqrt %add3A_18 : vector<1000xf32>
    %broadcast_in_dim3A = vector.shape_cast %rsqrt3A : vector<1000xf32> to vector<1000x1xf32>
    %mul3A = vector.broadcast %broadcast_in_dim3A : vector<1000x1xf32> to vector<1000x128xf32>
    %mul3A_19 = arith.mulf %mul3A, %dot_general3A_5 : vector<1000x128xf32>
    %swap3A = arith.constant 0 : index
    %swap3A_20 = arith.constant 0 : index
    %swap3A_21 = vector.load %arg4[%swap3A, %swap3A_20] : memref<1000x128xf32, #tpu.memory_space<vmem>>, vector<1000x128xf32>
    tpu.vector_store %arg4[%swap3A, %swap3A_20], %mul3A_19 {strides = array<i32>} : memref<1000x128xf32, #tpu.memory_space<vmem>>, vector<1000x128xf32>,
    return
  }
  func.func @transform_0(%arg0: i32) -> (i32, i32) {
    %c0_i32 = arith.constant 0 : i32
    %c0_i32_0 = arith.constant 0 : i32
    return %arg0, %c0_i32 : i32, i32
  }
  func.func @transform_1(%arg0: i32) -> (i32, i32) {
    %c0_i32 = arith.constant 0 : i32
    %c0_i32_0 = arith.constant 0 : i32
    %c0_i32_1 = arith.constant 0 : i32
    return %c0_i32, %c0_i32_0 : i32, i32
  }
  func.func @transform_2(%arg0: i32) -> (i32, i32, i32) {
    %c0_i32 = arith.constant 0 : i32
    %c0_i32_0 = arith.constant 0 : i32
    %c0_i32_1 = arith.constant 0 : i32
    return %c0_i32, %arg0, %c0_i32_0 : i32, i32, i32
  }
  func.func @transform_3(%arg0: i32) -> (i32, i32) {
    %c0_i32 = arith.constant 0 : i32
    %c0_i32_0 = arith.constant 0 : i32
    return %arg0, %c0_i32 : i32, i32
  }
}

module attributes {stable_mosaic.version = 14 : i64} {
  func.func @_k2_body(%arg0: i32, %arg1: memref<2x1000x128xf32, #tpu.memory_space<vmem>>, %arg2: memref<1000x128xf32, #tpu.memory_space<vmem>>, %arg3: memref<2x1000x16xf32, #tpu.memory_space<vmem>>, %arg4: memref<1x128xf32, #tpu.memory_space<vmem>>, %arg5: memref<128x128xf32, #tpu.memory_space<vmem>>, %arg6: memref<1000x128xf32, #tpu.memory_space<vmem>>) attributes {dimension_semantics = [#tpu.dimension_semantics<arbitrary>], iteration_bounds = array<i64: 10>, scalar_prefetch = 0 : i64, scratch_operands = 0 : i64, tpu.core_type = #tpu.core_type<tc>, window_params = [{transform_indices = @transform_0, window_bounds = array<i64: 2, 1000, 128>}, {transform_indices = @transform_1, window_bounds = array<i64: 1000, 128>}, {transform_indices = @transform_2, window_bounds = array<i64: 2, 1000, 16>}, {pipeline_mode = #tpu.pipeline_mode<synchronous>, transform_indices = @transform_3, window_bounds = array<i64: 1, 128>}, {pipeline_mode = #tpu.pipeline_mode<synchronous>, transform_indices = @transform_4, window_bounds = array<i64: 128, 128>}, {transform_indices = @transform_5, window_bounds = array<i64: 1000, 128>}]} {
    %get3A = arith.constant 0 : index
    %get3A_0 = arith.constant 0 : index
    %get3A_1 = arith.constant 0 : index
    %get3A_2 = vector.load %arg3[%get3A, %get3A_0, %get3A_1] : memref<2x1000x16xf32, #tpu.memory_space<vmem>>, vector<1x1000x1xf32>
    %get3A_3 = vector.shape_cast %get3A_2 : vector<1x1000x1xf32> to vector<1000xf32>
    %get3A_4 = arith.constant 1 : index
    %get3A_5 = arith.constant 0 : index
    %get3A_6 = arith.constant 0 : index
    %get3A_7 = vector.load %arg3[%get3A_4, %get3A_5, %get3A_6] : memref<2x1000x16xf32, #tpu.memory_space<vmem>>, vector<1x1000x1xf32>
    %get3A_8 = vector.shape_cast %get3A_7 : vector<1x1000x1xf32> to vector<1000xf32>
    %add3A = arith.addf %get3A_3, %get3A_8 : vector<1000xf32>
    %add3A_9 = arith.constant 1.000000e+00 : f32
    %add3A_10 = vector.broadcast %add3A_9 : f32 to vector<1000xf32>
    %add3A_11 = arith.addf %add3A, %add3A_10 : vector<1000xf32>
    %rsqrt3A = math.rsqrt %add3A_11 : vector<1000xf32>
    %get3A_12 = arith.constant 0 : index
    %get3A_13 = arith.constant 0 : index
    %get3A_14 = arith.constant 0 : index
    %get3A_15 = vector.load %arg1[%get3A_12, %get3A_13, %get3A_14] : memref<2x1000x128xf32, #tpu.memory_space<vmem>>, vector<1x1000x128xf32>
    %get3A_16 = vector.shape_cast %get3A_15 : vector<1x1000x128xf32> to vector<1000x128xf32>
    %get3A_17 = arith.constant 1 : index
    %get3A_18 = arith.constant 0 : index
    %get3A_19 = arith.constant 0 : index
    %get3A_20 = vector.load %arg1[%get3A_17, %get3A_18, %get3A_19] : memref<2x1000x128xf32, #tpu.memory_space<vmem>>, vector<1x1000x128xf32>
    %get3A_21 = vector.shape_cast %get3A_20 : vector<1x1000x128xf32> to vector<1000x128xf32>
    %add3A_22 = arith.addf %get3A_16, %get3A_21 : vector<1000x128xf32>
    %get3A_23 = arith.constant 0 : index
    %get3A_24 = arith.constant 0 : index
    %get3A_25 = vector.load %arg2[%get3A_23, %get3A_24] : memref<1000x128xf32, #tpu.memory_space<vmem>>, vector<1000x128xf32>
    %add3A_26 = arith.addf %add3A_22, %get3A_25 : vector<1000x128xf32>
    %broadcast_in_dim3A = vector.shape_cast %rsqrt3A : vector<1000xf32> to vector<1000x1xf32>
    %mul3A = vector.broadcast %broadcast_in_dim3A : vector<1000x1xf32> to vector<1000x128xf32>
    %mul3A_27 = arith.mulf %mul3A, %add3A_26 : vector<1000x128xf32>
    %get3A_28 = arith.constant 0 : index
    %get3A_29 = arith.constant 0 : index
    %get3A_30 = vector.load %arg4[%get3A_28, %get3A_29] : memref<1x128xf32, #tpu.memory_space<vmem>>, vector<1x128xf32>
    %add3A_31 = vector.broadcast %get3A_30 : vector<1x128xf32> to vector<1000x128xf32>
    %add3A_32 = arith.addf %mul3A_27, %add3A_31 : vector<1000x128xf32>
    %max3A = arith.constant 0.000000e+00 : f32
    %max3A_33 = vector.broadcast %max3A : f32 to vector<1000x128xf32>
    %max3A_34 = arith.maximumf %add3A_32, %max3A_33 : vector<1000x128xf32>
    %get3A_35 = arith.constant 0 : index
    %get3A_36 = arith.constant 0 : index
    %get3A_37 = vector.load %arg5[%get3A_35, %get3A_36] : memref<128x128xf32, #tpu.memory_space<vmem>>, vector<128x128xf32>
    %dot_general3A = arith.constant dense<0.000000e+00> : vector<1000x128xf32>
    %dot_general3A_38 = tpu.matmul %max3A_34, %get3A_37, %dot_general3A {dimension_numbers = #tpu.dot_dimension_numbers<[1], [0], [0], [1], [0, 0, 1, 1], [], []>, transpose_lhs_hint = false} : vector<1000x128xf32>, vector<128x128xf32>, vector<1000x128xf32> -> vector<1000x128xf32>
    %broadcast_in_dim3A_39 = vector.shape_cast %rsqrt3A : vector<1000xf32> to vector<1000x1xf32>
    %mul3A_40 = vector.broadcast %broadcast_in_dim3A_39 : vector<1000x1xf32> to vector<1000x128xf32>
    %mul3A_41 = arith.mulf %mul3A_40, %dot_general3A_38 : vector<1000x128xf32>
    %swap3A = arith.constant 0 : index
    %swap3A_42 = arith.constant 0 : index
    %swap3A_43 = vector.load %arg6[%swap3A, %swap3A_42] : memref<1000x128xf32, #tpu.memory_space<vmem>>, vector<1000x128xf32>
    tpu.vector_store %arg6[%swap3A, %swap3A_42], %mul3A_41 {strides = array<i32>} : memref<1000x128xf32, #tpu.memory_space<vmem>>, vector<1000x128xf32>,
    return
  }
  func.func @transform_0(%arg0: i32) -> (i32, i32, i32) {
    %c0_i32 = arith.constant 0 : i32
    %c0_i32_0 = arith.constant 0 : i32
    %c0_i32_1 = arith.constant 0 : i32
    return %c0_i32, %arg0, %c0_i32_0 : i32, i32, i32
  }
  func.func @transform_1(%arg0: i32) -> (i32, i32) {
    %c0_i32 = arith.constant 0 : i32
    %c0_i32_0 = arith.constant 0 : i32
    return %arg0, %c0_i32 : i32, i32
  }
  func.func @transform_2(%arg0: i32) -> (i32, i32, i32) {
    %c0_i32 = arith.constant 0 : i32
    %c0_i32_0 = arith.constant 0 : i32
    %c0_i32_1 = arith.constant 0 : i32
    return %c0_i32, %arg0, %c0_i32_0 : i32, i32, i32
  }
  func.func @transform_3(%arg0: i32) -> (i32, i32) {
    %c0_i32 = arith.constant 0 : i32
    %c0_i32_0 = arith.constant 0 : i32
    %c0_i32_1 = arith.constant 0 : i32
    return %c0_i32, %c0_i32_0 : i32, i32
  }
  func.func @transform_4(%arg0: i32) -> (i32, i32) {
    %c0_i32 = arith.constant 0 : i32
    %c0_i32_0 = arith.constant 0 : i32
    %c0_i32_1 = arith.constant 0 : i32
    return %c0_i32, %c0_i32_0 : i32, i32
  }
  func.func @transform_5(%arg0: i32) -> (i32, i32) {
    %c0_i32 = arith.constant 0 : i32
    %c0_i32_0 = arith.constant 0 : i32
    return %arg0, %c0_i32 : i32, i32
  }
}

module attributes {stable_mosaic.version = 14 : i64} {
  func.func @_k3_body(%arg0: i32, %arg1: memref<2x1000x128xf32, #tpu.memory_space<vmem>>, %arg2: memref<1000x128xf32, #tpu.memory_space<vmem>>, %arg3: memref<2x1000x16xf32, #tpu.memory_space<vmem>>, %arg4: memref<1x128xf32, #tpu.memory_space<vmem>>, %arg5: memref<1x1x1000xi32, #tpu.memory_space<vmem>>, %arg6: memref<128x128xf32, #tpu.memory_space<vmem>>, %arg7: memref<1x128xf32, #tpu.memory_space<vmem>>, %arg8: memref<64x128xf32, #tpu.memory_space<vmem>>, %arg9: memref<64x128xf32, #tpu.memory_space<vmem>>, %arg10: memref<64x128xf32, #tpu.memory_space<vmem>>) attributes {dimension_semantics = [#tpu.dimension_semantics<arbitrary>], iteration_bounds = array<i64: 10>, scalar_prefetch = 0 : i64, scratch_operands = 2 : i64, tpu.core_type = #tpu.core_type<tc>, window_params = [{transform_indices = @transform_0, window_bounds = array<i64: 2, 1000, 128>}, {transform_indices = @transform_1, window_bounds = array<i64: 1000, 128>}, {transform_indices = @transform_2, window_bounds = array<i64: 2, 1000, 16>}, {pipeline_mode = #tpu.pipeline_mode<synchronous>, transform_indices = @transform_3, window_bounds = array<i64: 1, 128>}, {transform_indices = @transform_4, window_bounds = array<i64: 1, 1, 1000>}, {pipeline_mode = #tpu.pipeline_mode<synchronous>, transform_indices = @transform_5, window_bounds = array<i64: 128, 128>}, {pipeline_mode = #tpu.pipeline_mode<synchronous>, transform_indices = @transform_6, window_bounds = array<i64: 1, 128>}, {pipeline_mode = #tpu.pipeline_mode<synchronous>, transform_indices = @transform_7, window_bounds = array<i64: 64, 128>}]} {
    %eq3A = arith.constant 0 : i32
    %eq3A_0 = arith.cmpi eq, %arg0, %eq3A : i32
    %convert_element_type3A = arith.extui %eq3A_0 : i1 to i32
    %cond3A = arith.constant 0 : i32
    %cond3A_1 = arith.cmpi ne, %convert_element_type3A, %cond3A : i32
    scf.if %cond3A_1 {
      %broadcast_in_dim3A_67 = arith.constant 0.000000e+00 : f32
      %broadcast_in_dim3A_68 = vector.broadcast %broadcast_in_dim3A_67 : f32 to vector<64x128xf32>
      %swap3A_69 = arith.constant 0 : index
      %swap3A_70 = arith.constant 0 : index
      %swap3A_71 = vector.load %arg9[%swap3A_69, %swap3A_70] : memref<64x128xf32, #tpu.memory_space<vmem>>, vector<64x128xf32>
      tpu.vector_store %arg9[%swap3A_69, %swap3A_70], %broadcast_in_dim3A_68 {strides = array<i32>} : memref<64x128xf32, #tpu.memory_space<vmem>>, vector<64x128xf32>,
      %broadcast_in_dim3A_72 = arith.constant 0.000000e+00 : f32
      %broadcast_in_dim3A_73 = vector.broadcast %broadcast_in_dim3A_72 : f32 to vector<64x128xf32>
      %swap3A_74 = arith.constant 0 : index
      %swap3A_75 = arith.constant 0 : index
      %swap3A_76 = vector.load %arg10[%swap3A_74, %swap3A_75] : memref<64x128xf32, #tpu.memory_space<vmem>>, vector<64x128xf32>
      tpu.vector_store %arg10[%swap3A_74, %swap3A_75], %broadcast_in_dim3A_73 {strides = array<i32>} : memref<64x128xf32, #tpu.memory_space<vmem>>, vector<64x128xf32>,
    } else {
    }
    %get3A = arith.constant 0 : index
    %get3A_2 = arith.constant 0 : index
    %get3A_3 = arith.constant 0 : index
    %get3A_4 = vector.load %arg3[%get3A, %get3A_2, %get3A_3] : memref<2x1000x16xf32, #tpu.memory_space<vmem>>, vector<1x1000x1xf32>
    %get3A_5 = vector.shape_cast %get3A_4 : vector<1x1000x1xf32> to vector<1000xf32>
    %get3A_6 = arith.constant 1 : index
    %get3A_7 = arith.constant 0 : index
    %get3A_8 = arith.constant 0 : index
    %get3A_9 = vector.load %arg3[%get3A_6, %get3A_7, %get3A_8] : memref<2x1000x16xf32, #tpu.memory_space<vmem>>, vector<1x1000x1xf32>
    %get3A_10 = vector.shape_cast %get3A_9 : vector<1x1000x1xf32> to vector<1000xf32>
    %add3A = arith.addf %get3A_5, %get3A_10 : vector<1000xf32>
    %add3A_11 = arith.constant 1.000000e+00 : f32
    %add3A_12 = vector.broadcast %add3A_11 : f32 to vector<1000xf32>
    %add3A_13 = arith.addf %add3A, %add3A_12 : vector<1000xf32>
    %rsqrt3A = math.rsqrt %add3A_13 : vector<1000xf32>
    %get3A_14 = arith.constant 0 : index
    %get3A_15 = arith.constant 0 : index
    %get3A_16 = arith.constant 0 : index
    %get3A_17 = vector.load %arg1[%get3A_14, %get3A_15, %get3A_16] : memref<2x1000x128xf32, #tpu.memory_space<vmem>>, vector<1x1000x128xf32>
    %get3A_18 = vector.shape_cast %get3A_17 : vector<1x1000x128xf32> to vector<1000x128xf32>
    %get3A_19 = arith.constant 1 : index
    %get3A_20 = arith.constant 0 : index
    %get3A_21 = arith.constant 0 : index
    %get3A_22 = vector.load %arg1[%get3A_19, %get3A_20, %get3A_21] : memref<2x1000x128xf32, #tpu.memory_space<vmem>>, vector<1x1000x128xf32>
    %get3A_23 = vector.shape_cast %get3A_22 : vector<1x1000x128xf32> to vector<1000x128xf32>
    %add3A_24 = arith.addf %get3A_18, %get3A_23 : vector<1000x128xf32>
    %get3A_25 = arith.constant 0 : index
    %get3A_26 = arith.constant 0 : index
    %get3A_27 = vector.load %arg2[%get3A_25, %get3A_26] : memref<1000x128xf32, #tpu.memory_space<vmem>>, vector<1000x128xf32>
    %add3A_28 = arith.addf %add3A_24, %get3A_27 : vector<1000x128xf32>
    %broadcast_in_dim3A = vector.shape_cast %rsqrt3A : vector<1000xf32> to vector<1000x1xf32>
    %mul3A = vector.broadcast %broadcast_in_dim3A : vector<1000x1xf32> to vector<1000x128xf32>
    %mul3A_29 = arith.mulf %mul3A, %add3A_28 : vector<1000x128xf32>
    %get3A_30 = arith.constant 0 : index
    %get3A_31 = arith.constant 0 : index
    %get3A_32 = vector.load %arg4[%get3A_30, %get3A_31] : memref<1x128xf32, #tpu.memory_space<vmem>>, vector<1x128xf32>
    %add3A_33 = vector.broadcast %get3A_32 : vector<1x128xf32> to vector<1000x128xf32>
    %add3A_34 = arith.addf %mul3A_29, %add3A_33 : vector<1000x128xf32>
    %get3A_35 = arith.constant 0 : index
    %get3A_36 = arith.constant 0 : index
    %get3A_37 = arith.constant 0 : index
    %get3A_38 = vector.load %arg5[%get3A_35, %get3A_36, %get3A_37] : memref<1x1x1000xi32, #tpu.memory_space<vmem>>, vector<1x1x1000xi32>
    %get3A_39 = vector.shape_cast %get3A_38 : vector<1x1x1000xi32> to vector<1000xi32>
    %iota3A = tpu.iota {dimensions = array<i32: 0>} : vector<64x1000xi32>
    %broadcast_in_dim3A_40 = vector.shape_cast %get3A_39 : vector<1000xi32> to vector<1x1000xi32>
    %eq3A_41 = vector.broadcast %broadcast_in_dim3A_40 : vector<1x1000xi32> to vector<64x1000xi32>
    %eq3A_42 = arith.cmpi eq, %iota3A, %eq3A_41 : vector<64x1000xi32>
    %convert_element_type3A_43 = arith.extui %eq3A_42 : vector<64x1000xi1> to vector<64x1000xi32>
    %convert_element_type3A_44 = arith.sitofp %convert_element_type3A_43 : vector<64x1000xi32> to vector<64x1000xf32>
    %get3A_45 = arith.constant 0 : index
    %get3A_46 = arith.constant 0 : index
    %get3A_47 = vector.load %arg9[%get3A_45, %get3A_46] : memref<64x128xf32, #tpu.memory_space<vmem>>, vector<64x128xf32>
    %dot_general3A = arith.constant dense<0.000000e+00> : vector<64x128xf32>
    %dot_general3A_48 = tpu.matmul %convert_element_type3A_44, %add3A_34, %dot_general3A {dimension_numbers = #tpu.dot_dimension_numbers<[1], [0], [0], [1], [0, 0, 1, 1], [], []>, transpose_lhs_hint = false} : vector<64x1000xf32>, vector<1000x128xf32>, vector<64x128xf32> -> vector<64x128xf32>
    %add3A_49 = arith.addf %get3A_47, %dot_general3A_48 : vector<64x128xf32>
    %swap3A = arith.constant 0 : index
    %swap3A_50 = arith.constant 0 : index
    %swap3A_51 = vector.load %arg9[%swap3A, %swap3A_50] : memref<64x128xf32, #tpu.memory_space<vmem>>, vector<64x128xf32>
    tpu.vector_store %arg9[%swap3A, %swap3A_50], %add3A_49 {strides = array<i32>} : memref<64x128xf32, #tpu.memory_space<vmem>>, vector<64x128xf32>,
    %get3A_52 = arith.constant 0 : index
    %get3A_53 = arith.constant 0 : index
    %get3A_54 = vector.load %arg10[%get3A_52, %get3A_53] : memref<64x128xf32, #tpu.memory_space<vmem>>, vector<64x128xf32>
    %reduce_sum3A = arith.constant dense<0.000000e+00> : vector<64xf32>
    %reduce_sum3A_55 = vector.multi_reduction <add>, %convert_element_type3A_44, %reduce_sum3A [1] : vector<64x1000xf32> to vector<64xf32>
    %broadcast_in_dim3A_56 = vector.shape_cast %reduce_sum3A_55 : vector<64xf32> to vector<64x1xf32>
    %add3A_57 = vector.broadcast %broadcast_in_dim3A_56 : vector<64x1xf32> to vector<64x128xf32>
    %add3A_58 = arith.addf %get3A_54, %add3A_57 : vector<64x128xf32>
    %swap3A_59 = arith.constant 0 : index
    %swap3A_60 = arith.constant 0 : index
    %swap3A_61 = vector.load %arg10[%swap3A_59, %swap3A_60] : memref<64x128xf32, #tpu.memory_space<vmem>>, vector<64x128xf32>
    tpu.vector_store %arg10[%swap3A_59, %swap3A_60], %add3A_58 {strides = array<i32>} : memref<64x128xf32, #tpu.memory_space<vmem>>, vector<64x128xf32>,
    %eq3A_62 = arith.constant 9 : i32
    %eq3A_63 = arith.cmpi eq, %arg0, %eq3A_62 : i32
    %convert_element_type3A_64 = arith.extui %eq3A_63 : i1 to i32
    %cond3A_65 = arith.constant 0 : i32
    %cond3A_66 = arith.cmpi ne, %convert_element_type3A_64, %cond3A_65 : i32
    scf.if %cond3A_66 {
      %get3A_67 = arith.constant 0 : index
      %get3A_68 = arith.constant 0 : index
      %get3A_69 = vector.load %arg9[%get3A_67, %get3A_68] : memref<64x128xf32, #tpu.memory_space<vmem>>, vector<64x128xf32>
      %get3A_70 = arith.constant 0 : index
      %get3A_71 = arith.constant 0 : index
      %get3A_72 = vector.load %arg10[%get3A_70, %get3A_71] : memref<64x128xf32, #tpu.memory_space<vmem>>, vector<64x128xf32>
      %max3A = arith.constant 1.000000e+00 : f32
      %max3A_73 = vector.broadcast %max3A : f32 to vector<64x128xf32>
      %max3A_74 = arith.maximumf %get3A_72, %max3A_73 : vector<64x128xf32>
      %div3A = arith.divf %get3A_69, %max3A_74 : vector<64x128xf32>
      %get3A_75 = arith.constant 0 : index
      %get3A_76 = arith.constant 0 : index
      %get3A_77 = vector.load %arg6[%get3A_75, %get3A_76] : memref<128x128xf32, #tpu.memory_space<vmem>>, vector<128x128xf32>
      %dot_general3A_78 = arith.constant dense<0.000000e+00> : vector<64x128xf32>
      %dot_general3A_79 = tpu.matmul %div3A, %get3A_77, %dot_general3A_78 {dimension_numbers = #tpu.dot_dimension_numbers<[1], [0], [0], [1], [0, 0, 1, 1], [], []>, transpose_lhs_hint = false} : vector<64x128xf32>, vector<128x128xf32>, vector<64x128xf32> -> vector<64x128xf32>
      %get3A_80 = arith.constant 0 : index
      %get3A_81 = arith.constant 0 : index
      %get3A_82 = vector.load %arg7[%get3A_80, %get3A_81] : memref<1x128xf32, #tpu.memory_space<vmem>>, vector<1x128xf32>
      %add3A_83 = vector.broadcast %get3A_82 : vector<1x128xf32> to vector<64x128xf32>
      %add3A_84 = arith.addf %dot_general3A_79, %add3A_83 : vector<64x128xf32>
      %swap3A_85 = arith.constant 0 : index
      %swap3A_86 = arith.constant 0 : index
      %swap3A_87 = vector.load %arg8[%swap3A_85, %swap3A_86] : memref<64x128xf32, #tpu.memory_space<vmem>>, vector<64x128xf32>
      tpu.vector_store %arg8[%swap3A_85, %swap3A_86], %add3A_84 {strides = array<i32>} : memref<64x128xf32, #tpu.memory_space<vmem>>, vector<64x128xf32>,
    } else {
    }
    return
  }
  func.func @transform_0(%arg0: i32) -> (i32, i32, i32) {
    %c0_i32 = arith.constant 0 : i32
    %c0_i32_0 = arith.constant 0 : i32
    %c0_i32_1 = arith.constant 0 : i32
    return %c0_i32, %arg0, %c0_i32_0 : i32, i32, i32
  }
  func.func @transform_1(%arg0: i32) -> (i32, i32) {
    %c0_i32 = arith.constant 0 : i32
    %c0_i32_0 = arith.constant 0 : i32
    return %arg0, %c0_i32 : i32, i32
  }
  func.func @transform_2(%arg0: i32) -> (i32, i32, i32) {
    %c0_i32 = arith.constant 0 : i32
    %c0_i32_0 = arith.constant 0 : i32
    %c0_i32_1 = arith.constant 0 : i32
    return %c0_i32, %arg0, %c0_i32_0 : i32, i32, i32
  }
  func.func @transform_3(%arg0: i32) -> (i32, i32) {
    %c0_i32 = arith.constant 0 : i32
    %c0_i32_0 = arith.constant 0 : i32
    %c0_i32_1 = arith.constant 0 : i32
    return %c0_i32, %c0_i32_0 : i32, i32
  }
  func.func @transform_4(%arg0: i32) -> (i32, i32, i32) {
    %c0_i32 = arith.constant 0 : i32
    %c0_i32_0 = arith.constant 0 : i32
    %c0_i32_1 = arith.constant 0 : i32
    return %arg0, %c0_i32, %c0_i32_0 : i32, i32, i32
  }
  func.func @transform_5(%arg0: i32) -> (i32, i32) {
    %c0_i32 = arith.constant 0 : i32
    %c0_i32_0 = arith.constant 0 : i32
    %c0_i32_1 = arith.constant 0 : i32
    return %c0_i32, %c0_i32_0 : i32, i32
  }
  func.func @transform_6(%arg0: i32) -> (i32, i32) {
    %c0_i32 = arith.constant 0 : i32
    %c0_i32_0 = arith.constant 0 : i32
    %c0_i32_1 = arith.constant 0 : i32
    return %c0_i32, %c0_i32_0 : i32, i32
  }
  func.func @transform_7(%arg0: i32) -> (i32, i32) {
    %c0_i32 = arith.constant 0 : i32
    %c0_i32_0 = arith.constant 0 : i32
    %c0_i32_1 = arith.constant 0 : i32
    return %c0_i32, %c0_i32_0 : i32, i32
  }
}

</mosaic_0001>

<sc_bundles>
// kernel: kernel.11.cloned.1.call-start
scs
__scs_entry_jumppad:
0x0: {  	(pc) =	sbr.rel $0x88, $3  }
0x1: {  	(tag) =	ssettag $0x0;
	lr =	simm.s32 $0x1  }
0x2: {  	[smem:$0x3F98] =	sst lr;
	_ =	strace $0xD0000000  }
0x3: {  	_ = 	snop  }
0x4: {  	_ = 	snop  }
0x5: {  	_ = 	snop  }
0x6: {  	_ = 	snop  }
0x7: {  	_ = 	snop  }
__scs_overlays_trampoline_lowered:
0x8: {  	[smem:$0x3FA7] =	sst s0  }
0x9: {  	[smem:$0x3FA8] =	sst s1  }
0xa: {  	[smem:$0x3FA9] =	sst s2  }
0xb: {  	[smem:$0x3FAA] =	sst s3  }
0xc: {  	[smem:$0x3FAB] =	sst s4  }
0xd: {  	[smem:$0x3FAC] =	sst s5  }
0xe: {  	[smem:$0x3FAD] =	sst s6  }
0xf: {  	[smem:$0x3FAE] =	sst s7  }
0x10: {  	[smem:$0x3FAF] =	sst s8  }
0x11: {  	[smem:$0x3FB0] =	sst s9;
	s0 =	simm.s32 @!p0 $0x0  }
0x12: {  	s1 =	sld [smem:$0x3F96];
	s0 =	simm.s32 @p0 $0x1  }
0x13: {  	[smem:$0x3FB1] =	sst s0;
	s0 =	simm.s32 @!p1 $0x0  }
0x14: {  	s2 =	sld [smem:$0x3F95];
	s0 =	simm.s32 @p1 $0x1  }
0x15: {  	[smem:$0x3FB2] =	sst s0;
	s0 =	simm.s32 @!p2 $0x0  }
0x16: {  	s3 =	sld [smem:$0x3FDB];
	s0 =	simm.s32 @p2 $0x1  }
0x17: {  	s4 =	simm.s32 $0x1BF5;
	[smem:$0x3FB4] =	sst s0  }
0x18: {  	s0 =	sld [smem:$0x3F97];
	_ =	swait.ge [sflag:s4], $0x0  }
0x19: {  	s7 =	sld [smem:$0x3F98]  }
0x1a: {  	s8 =	sadd.s32 $0xFFFFE003, lr  }
0x1b: {  	s9 =	sadd.s32 $0xFFFFFEF7, lr;
	s5 =	simm.s32 $0xFFFFFFFF;
	p2 =	slt.u32 s8, $0xFFFFF086  }
0x1c: {  	p1 =	slt.u32 s9, $0xF7A;
	s5 =	simm.s32 @!p2 $0x0  }
0x1d: {  	s5 =	simm.s32 @p1 $0x1;
	p0 =	seq.s32 s7, s2  }
0x1e: {  	s7 =	smul.u32 @!p0 $0xF7A, s2;
	p2 =	seq.s32 @!p0 s5, $0x0  }
0x1f: {  	s9 =	smul.u32 $0xF7A, s1;
	s8 =	simm.s32 @!p0 $0x1BF5;
	p2 =	por !p2, p0  }
0x20: {  	[sflag:s8] =	ssyncset.s32 @!p0 $0xFFFFF086;
	s6 =	sadd.s32 @!p0 s3, s7;
	s7 =	simm.s32 @!p0 $0x108  }
0x21: {  	s3 =	sadd.s32 s3, s9;
	s6 =	sadd.s32 @!p0 $0x88, s6;
	s7 =	simm.s32 @p2 $0x1082  }
0x22: {  	[simem:s7], [sflag:s8] =	dma.local @!p0 [hbm:s6], $0xF7A  }
0x23: {  	s9 =	sor.u32 $0xD0000000, s2;
	s6 =	simm.s32 $0x108;
	_ =	swait.ge @!p0 [sflag:s8], $0x0  }
0x24: {  	s3 =	sadd.s32 $0x88, s3;
	s6 =	simm.s32 @!p1 $0x1082;
	[sflag:s4] =	ssyncset.s32 $0xFFFFF086  }
0x25: {  	[simem:s6], [sflag:s4] =	dma.local [hbm:s3], $0xF7A  }
0x26: {  	[smem:$0x3F98] =	sst s1;
	(tag) =	ssettag s2;
	_ =	strace s9  }
0x27: {  	s1 =	sld [smem:$0x3FA8]  }
0x28: {  	s2 =	sld [smem:$0x3FA9]  }
0x29: {  	s4 =	sld [smem:$0x3FAB]  }
0x2a: {  	p0 =	seq.s32 s5, $0x0;
	s5 =	sld [smem:$0x3FAC]  }
0x2b: {  	s6 =	sld [smem:$0x3FAD]  }
0x2c: {  	s7 =	sld [smem:$0x3FAE]  }
0x2d: {  	s3 =	simm.s32 $0x108;
	s8 =	sld [smem:$0x3FAF]  }
0x2e: {  	s3 =	simm.s32 @!p0 $0x1082;
	s9 =	sld [smem:$0x3FB0]  }
0x2f: {  	lr =	sadd.s32 s0, s3;
	s0 =	sld [smem:$0x3FA7]  }
0x30: {  	s3 =	sld [smem:$0x3FAA]  }
0x31: {  	[smem:$0x3FB3] =	sst s10  }
0x32: {  	s10 =	sld [smem:$0x3FB1];
	_ =	sdelay $0x3  }
0x33: {  	p0 =	seq.s32 s10, $0x1;
	s10 =	sld [smem:$0x3FB3];
	_ =	sdelay $0x3  }
0x34: {  	[smem:$0x3FB3] =	sst s10  }
0x35: {  	s10 =	sld [smem:$0x3FB2];
	_ =	sdelay $0x3  }
0x36: {  	p1 =	seq.s32 s10, $0x1;
	s10 =	sld [smem:$0x3FB3];
	_ =	sdelay $0x3  }
0x37: {  	[smem:$0x3FB3] =	sst s10  }
0x38: {  	s10 =	sld [smem:$0x3FB4]  }
0x39: {  	_ = 	snop;
	(pc) =	sbr.ind lr, $3  }
0x3a: {  	_ = 	snop  }
0x3b: {  	_ = 	snop  }
0x3c: {  	p2 =	seq.s32 s10, $0x1;
	s10 =	sld [smem:$0x3FB3]  }
0x3d: {  	_ =	shalt  }
0x3e: {  	_ =	shalt  }
0x3f: {  	_ =	shalt  }
0x40: {  	_ =	shalt  }
0x41: {  	_ =	shalt  }
0x42: {  	_ =	shalt  }
0x43: {  	_ =	shalt  }
0x44: {  	_ =	shalt  }
0x45: {  	_ =	shalt  }
0x46: {  	_ =	shalt  }
0x47: {  	_ =	shalt  }
0x48: {  	_ =	shalt  }
0x49: {  	_ =	shalt  }
0x4a: {  	_ =	shalt  }
0x4b: {  	_ =	shalt  }
0x4c: {  	_ =	shalt  }
0x4d: {  	_ =	shalt  }
0x4e: {  	_ =	shalt  }
0x4f: {  	_ =	shalt  }
0x50: {  	_ =	shalt  }
0x51: {  	_ =	shalt  }
0x52: {  	_ =	shalt  }
0x53: {  	_ =	shalt  }
0x54: {  	_ =	shalt  }
0x55: {  	_ =	shalt  }
0x56: {  	_ =	shalt  }
0x57: {  	_ =	shalt  }
0x58: {  	_ =	shalt  }
0x59: {  	_ =	shalt  }
0x5a: {  	_ =	shalt  }
0x5b: {  	_ =	shalt  }
0x5c: {  	_ =	shalt  }
0x5d: {  	_ =	shalt  }
0x5e: {  	_ =	shalt  }
0x5f: {  	_ =	shalt  }
0x60: {  	_ =	shalt  }
0x61: {  	_ =	shalt  }
0x62: {  	_ =	shalt  }
0x63: {  	_ =	shalt  }
0x64: {  	_ =	shalt  }
0x65: {  	_ =	shalt  }
0x66: {  	_ =	shalt  }
0x67: {  	_ =	shalt  }
0x68: {  	_ =	shalt  }
0x69: {  	_ =	shalt  }
0x6a: {  	_ =	shalt  }
0x6b: {  	_ =	shalt  }
0x6c: {  	_ =	shalt  }
0x6d: {  	_ =	shalt  }
0x6e: {  	_ =	shalt  }
0x6f: {  	_ =	shalt  }
0x70: {  	_ =	shalt  }
0x71: {  	_ =	shalt  }
0x72: {  	_ =	shalt  }
0x73: {  	_ =	shalt  }
0x74: {  	_ =	shalt  }
0x75: {  	_ =	shalt  }
0x76: {  	_ =	shalt  }
0x77: {  	_ =	shalt  }
0x78: {  	_ =	shalt  }
0x79: {  	_ =	shalt  }
0x7a: {  	_ =	shalt  }
0x7b: {  	_ =	shalt  }
0x7c: {  	_ =	shalt  }
0x7d: {  	_ =	shalt  }
0x7e: {  	_ =	shalt  }
0x7f: {  	_ =	shalt  }
0x80: {  	_ =	shalt  }
0x81: {  	_ =	shalt  }
0x82: {  	_ =	shalt  }
0x83: {  	_ =	shalt  }
0x84: {  	_ =	shalt  }
0x85: {  	_ =	shalt  }
0x86: {  	_ =	shalt  }
0x87: {  	_ =	shalt  }
.Lfunc_end0:
.L_simem_size_0:
called_computation.1_lowered:
.L_overlay_start_0:
0x88: {  	s2 =	sld [smem:$0x3FD9]  }
0x89: {  	s3 =	sld [smem:$0x3FFE];
	_ =	sdelay $0x1  }
0x8a: {  	s1 =	srdreg.scid  }
0x8b: {  	s0 =	sand.u32 $0x1, s1  }
0x8c: {  	s16 =	sshll.u32 s0, $0xA;
	s2 =	sadd.s32 s3, s2  }
0x8d: {  	s2 =	sadd.s32 s2, s16  }
0x8e: {  	[smem:$0x3FBF] =	sst s2  }
0x8f: {  	_ = 	snop  }
0x90: {  	(tm) =	ssettm $0x1  }
0x91: {  	s17 =	sld [smem:$0x3FFB];
	_ =	sdelay $0x3  }
0x92: {  	_ =	strace s17  }
0x93: {  	s2 =	sld [smem:$0x3FFC];
	_ =	sdelay $0x3  }
0x94: {  	_ =	strace s2  }
0x95: {  	s2 =	sld [smem:$0x3FFD];
	_ =	sdelay $0x3  }
0x96: {  	_ =	strace s2  }
0x97: {  	_ =	strace $0x8FFFFFFF  }
0x98: {  	s18 =	sld [smem:$0x3FDB];
	_ =	sdelay $0x1  }
0x99: {  	s19 =	simm.s32 $_scs_section_size  }
0x9a: {  	s4 =	simm.s32 $_size__tile_overlayer_lowered;
	s5 =	simm.s32 $_tile_overlayer_lowered  }
0x9b: {  	s22 =	simm.s32 $0x1BFF;
	s21 =	sshll.u32 s5, $0x1;
	s2 =	sadd.s32 s19, s18  }
0x9c: {  	s6 =	simm.s32 $0x0;
	s20 =	sshll.u32 s4, $0x1;
	s4 =	sadd.s32 s21, s2  }
0x9d: {  	[timem:s6], [sflag:s22] =	dma.local [hbm:s4], s20  }
0x9e: {  	_ =	swait.ge [sflag:s22], s20  }
0x9f: {  	s3 =	ssub.s32 $0x0, s20;
	[sflag:s22] =	ssyncset.done $0x0  }
0xa0: {  	[sflag:s22] =	ssyncadd.s32 s3;
	_ =	sdelay $0x1  }
0xa1: {  	s23 =	simm.s32 $0x1B8B  }
0xa2: {  	_ =	swait.ge [sflag:s23], $0x1  }
0xa3: {  	[sflag:s23] =	ssyncset.done $0x0  }
0xa4: {  	s25 =	simm.s32 $0x1B8E;
	s24 =	sld [smem:$0x3FFE];
	[sflag:s23] =	ssyncadd.s32 $0xFFFFFFFF  }
0xa5: {  	s26 =	simm.s32 $execute0_lowered;
	[smem:$0x3FD2] =	sst s25  }
0xa6: {  	s4 =	sshll.u32 s26, $0x1;
	_ =	strace $0x80000049;
	[dreg:$0x1] =	wrdreg $0xFFFFFFFF  }
0xa7: {  	s28 =	simm.s32 $_size_execute0_lowered;
	s2 =	sadd.s32 s2, s4;
	[dreg:$0x0] =	wrdreg $0x0  }
0xa8: {  	s4 =	sshll.u32 s28, $0x1;
	[dreg:$0x2] =	wrdreg s2  }
0xa9: {  	[dreg:$0x3] =	wrdreg s4  }
0xaa: {  	[dreg:$0x4] =	wrdreg $0xC0  }
0xab: {  	_ =	task [dreg:s6], $0x5FFFF  }
0xac: {  	[dreg:$0x1] =	wrdreg $0xFFFFFFFF  }
0xad: {  	[dreg:$0x0] =	wrdreg $0x60  }
0xae: {  	[dreg:$0x2] =	wrdreg s24  }
0xaf: {  	[dreg:$0x3] =	wrdreg $0x0  }
0xb0: {  	[dreg:$0x4] =	wrdreg $0x9  }
0xb1: {  	_ =	task.clear_ibuf [dreg:s6], $0x5FFFF;
	_ =	strace $0x90000049  }
0xb2: {  	s29 =	simm.s32 $0x9;
	_ =	strace $0x8000004B  }
0xb3: {  	_ =	swait.ge [sflag:s29], $0x1  }
0xb4: {  	[sflag:s29] =	ssyncadd.s32 $0xFFFFFFFF  }
0xb5: {  	_ =	strace $0x9000004B  }
0xb6: {  	_ =	sfence  }
0xb7: {  	s30 =	sld [smem:$0x0];
	_ =	sdelay $0x2  }
0xb8: {  	s31 =	sshll.u32 s1, $0xD;
	s1 =	sshrl.u32 s1, $0x2  }
0xb9: {  	s3 =	sand.u32 $0x4000, s31;
	s1 =	sadd.s32 s1, s30  }
0xba: {  	s0 =	sor.u32 s3, s0;
	s1 =	sshll.u32 s1, $0x11  }
0xbb: {  	s0 =	sor.u32 s1, s0  }
0xbc: {  	s0 =	sadd.s32 $0x8F2B, s0  }
0xbd: {  	[sflag:s0] =	ssyncadd.remote.s32 $0x1  }
0xbe: {  	_ =	sfence.sel $0xFFFF  }
0xbf: {  	[dreg:$0x0] =	wrdreg $0xFFFFFFFF;
	(pc) =	sbr.abs _section_cstart, $3  }
0xc0: {  	[dreg:$0x1] =	wrdreg $0xFFFFFFFF  }
0xc1: {  	_ =	task.clear_ibuf [dreg:s6], $0x2FFFF;
	_ =	strace $0x9FFFFFFF  }
0xc2: {  	(tm) =	ssettm $0x7FFFFFFF  }
0xc3: {  	_ =	shalt  }
tec
execute0_lowered:
.L_overlay_start_1:
0x0: {  	(tag) =	ssettag $0x1  }
0x1: {  	s7 =	rddreg [dreg:$0x0]  }
0x2: {  	s0 =	srdreg.scid;
	s2 =	rddreg [dreg:$0x1]  }
0x3: {  	s3 =	simm.s32 $0x0;
	s15 =	simm.s32 $0x50;
	s16 =	simm.s32 $0x1A600  }
0x4: {  	s17 =	simm.s32 $0x1CE00;
	s18 =	simm.s32 $0x1;
	s6 =	sand.u32 $0x1, s0  }
0x5: {  	s19 =	simm.s32 $0x2;
	s0 =	stileid.u32;
	s8 =	smul.u32 $0x140000, s6  }
0x6: {  	s20 =	simm.s32 $0x1A580;
	s21 =	simm.s32 $0x0;
	s9 =	smul.u32 $0x14000, s0  }
0x7: {  	[smem:$0x7FF] =	sst s3;
	s1 =	sshll.u32 s6, $0x4;
	s30 =	smul.u32 $0x50000, s0  }
0x8: {  	s6 =	ssub.s32 $0x2, s6;
	s12 =	sshll.u32 s0, $0x6;
	s4 =	sor.u32 s0, s1  }
0x9: {  	s1 =	rddreg [dreg:$0x2];
	_ =	strace $0x8000004A;
	s5 =	smul.u32 $0x4F0, s4  }
0xa: {  	s31 =	sshrl.u32 s6, $0x1;
	s10 =	smul.u32 $0x7D0, s4;
	s4 =	sadd.s32 $0x6EE00, s7  }
0xb: {  	s28 =	sadd.s32 s9, s8;
	s13 =	ssub.s32 s6, s31;
	s6 =	sor.u32 $0x1C03, s12  }
0xc: {  	s12 =	simm.s32 $0x3;
	s9 =	sshrl.u32 s28, $0x3;
	s11 =	sadd.s32 s5, s7  }
0xd: {  	s29 =	sadd.s32 s10, s7;
	s5 =	sadd.s32 $0x12800, s7;
	s10 =	sshrl.u32 s30, $0x2  }
0xe: {  	s9 =	sadd.s32 s9, s7;
	s14 =	sadd.s32 s10, s2;
	s7 =	sadd.s32 $0x65000, s11  }
0xf: {  	s8 =	sadd.s32 $0x2E00, s29;
	s9 =	sadd.s32 $0x96000, s9;
	s10 =	smax.u32 s13, $0x1  }
0x10: {  	s13 =	simm.s32 $0x14000;
	s11 =	sshrl.u32 s14, $0x3;
	s14 =	simm.s32 $0x16780  }
.LBB2_1:
0x11: {  	[spmem:s11], [sflag:s6] =	dma.local [hbm:s5], $0x2800  }
0x12: {  	_ =	swait.ge [sflag:s12], $0x2800  }
0x13: {  	[sflag:s12] =	ssyncset.done $0x0  }
0x14: {  	[sflag:s12] =	ssyncadd.s32 $0xFFFFD800  }
0x15: {  	[tilespmem:s13], [sflag:$0x3] =	stream.linear.gather [hbm4b:s7+s3], $0x2780, $0x38;
	[tilespmem:$0x1F600] =	vst v63  }
0x16: {  	_ =	swait.ge [sflag:s12], $0x2780  }
0x17: {  	[sflag:s12] =	ssyncset.done $0x0  }
0x18: {  	[sflag:s12] =	ssyncadd.s32 $0xFFFFD880  }
0x19: {  	[tilespmem:s14], [sflag:$0x3] =	stream.linear.gather [hbm4b:s8+s3], $0x3E80, $0x38;
	[tilespmem:$0x1F600] =	vst v63  }
0x1a: {  	_ =	swait.ge [sflag:s12], $0x3E80  }
0x1b: {  	[sflag:s12] =	ssyncset.done $0x0  }
0x1c: {  	[sflag:s12] =	ssyncadd.s32 $0xFFFFC180  }
0x1d: {  	[bflag:$0x0] =	sbarrier.arrive $0xFFFF  }
0x1e: {  	[tilespmem:s16], [sflag:$0x1] =	stream.indirect.gather [hbm4b:s4+s15], $0x80, s13, s15, $0xb8;
	[tilespmem:$0x1F600] =	vst v63  }
0x1f: {  	s22 =	simm.s32 $0x14050  }
0x20: {  	[tilespmem:s17], [sflag:$0x2] =	stream.indirect.gather [hbm4b:s4+s15], $0x80, s22, s15, $0xb8;
	[tilespmem:$0x1F600] =	vst v63  }
0x21: {  	_ =	swait.ge [sflag:s18], $0x2800  }
0x22: {  	[sflag:s18] =	ssyncset.done $0x0  }
0x23: {  	s29 =	simm.s32 $0x16780;
	[sflag:s18] =	ssyncadd.s32 $0xFFFFD800  }
0x24: {  	[spmem:s2] =	stream.indirect.scatter.add.f32 [tilespmem:s16], [sflag:$0x3], $0x80, s29, s15, $0xb8;
	[tilespmem:$0x1F600] =	vst v63  }
0x25: {  	_ =	swait.ge [sflag:s12], $0x2800  }
0x26: {  	[sflag:s12] =	ssyncset.done $0x0  }
0x27: {  	s30 =	simm.s32 $0x140A0;
	[sflag:s12] =	ssyncadd.s32 $0xFFFFD800  }
0x28: {  	[tilespmem:s16], [sflag:$0x1] =	stream.indirect.gather [hbm4b:s4+s15], $0x80, s30, s15, $0xb8;
	[tilespmem:$0x1F600] =	vst v63  }
0x29: {  	_ =	swait.ge [sflag:s19], $0x2800  }
0x2a: {  	[sflag:s19] =	ssyncset.done $0x0  }
0x2b: {  	s31 =	simm.s32 $0x16800;
	[sflag:s19] =	ssyncadd.s32 $0xFFFFD800  }
0x2c: {  	[spmem:s2] =	stream.indirect.scatter.add.f32 [tilespmem:s17], [sflag:$0x3], $0x80, s31, s15, $0xb8;
	[tilespmem:$0x1F600] =	vst v63  }
0x2d: {  	s23 =	simm.s32 $0x400;
	_ =	swait.ge [sflag:s12], $0x2800  }
0x2e: {  	s24 =	simm.s32 $0x800;
	s22 =	simm.s32 $0x14140;
	[sflag:s12] =	ssyncset.done $0x0  }
.LBB2_2:
0x2f: {  	p0 =	sne.s32 s24, $0xF400;
	s25 =	sadd.s32 $0xFFFFFFB0, s22;
	[sflag:s12] =	ssyncadd.s32 $0xFFFFD800  }
0x30: {  	[tilespmem:s17], [sflag:$0x2] =	stream.indirect.gather [hbm4b:s4+s15], $0x80, s25, s15, $0xb8;
	[tilespmem:$0x1F600] =	vst v63  }
0x31: {  	s25 =	smov.u32 s24;
	s24 =	sadd.s32 $0x400, s24;
	_ =	swait.ge [sflag:s18], $0x2800  }
0x32: {  	s26 =	sshra.s32 s23, $0x2;
	s23 =	smov.u32 s25;
	[sflag:s18] =	ssyncset.done $0x0  }
0x33: {  	s25 =	sadd.s32 $0x16780, s26;
	[sflag:s18] =	ssyncadd.s32 $0xFFFFD800  }
0x34: {  	[spmem:s2] =	stream.indirect.scatter.add.f32 [tilespmem:s16], [sflag:$0x3], $0x80, s25, s15, $0xb8;
	[tilespmem:$0x1F600] =	vst v63  }
0x35: {  	_ =	swait.ge [sflag:s12], $0x2800  }
0x36: {  	[sflag:s12] =	ssyncset.done $0x0  }
0x37: {  	[sflag:s12] =	ssyncadd.s32 $0xFFFFD800  }
0x38: {  	[tilespmem:s16], [sflag:$0x1] =	stream.indirect.gather [hbm4b:s4+s15], $0x80, s22, s15, $0xb8;
	[tilespmem:$0x1F600] =	vst v63  }
0x39: {  	_ =	swait.ge [sflag:s19], $0x2800  }
.Ltmp0:
0x3a: {  	[sflag:s19] =	ssyncset.done $0x0;
	(pc) =	sbr.rel @p0 .LBB2_2-.Ltmp0, $4  }
0x3b: {  	s25 =	sadd.s32 $0x16800, s26;
	[sflag:s19] =	ssyncadd.s32 $0xFFFFD800  }
0x3c: {  	[spmem:s2] =	stream.indirect.scatter.add.f32 [tilespmem:s17], [sflag:$0x3], $0x80, s25, s15, $0xb8;
	[tilespmem:$0x1F600] =	vst v63  }
0x3d: {  	_ =	swait.ge [sflag:s12], $0x2800  }
0x3e: {  	s22 =	sadd.s32 $0xA0, s22;
	[sflag:s12] =	ssyncset.done $0x0  }
0x3f: {  	s24 =	sadd.s32 $0xFFFFFFB0, s22;
	[sflag:s12] =	ssyncadd.s32 $0xFFFFD800  }
0x40: {  	[tilespmem:s17], [sflag:$0x2] =	stream.indirect.gather [hbm4b:s4+s15], $0x80, s24, s15, $0xb8;
	[tilespmem:$0x1F600] =	vst v63  }
0x41: {  	_ =	swait.ge [sflag:s18], $0x2800  }
0x42: {  	s23 =	sshra.s32 s23, $0x2;
	[sflag:s18] =	ssyncset.done $0x0  }
0x43: {  	s30 =	sadd.s32 $0x16780, s23;
	[sflag:s18] =	ssyncadd.s32 $0xFFFFD800  }
0x44: {  	[spmem:s2] =	stream.indirect.scatter.add.f32 [tilespmem:s16], [sflag:$0x3], $0x80, s30, s15, $0xb8;
	[tilespmem:$0x1F600] =	vst v63  }
0x45: {  	_ =	swait.ge [sflag:s12], $0x2800  }
0x46: {  	[sflag:s12] =	ssyncset.done $0x0  }
0x47: {  	[sflag:s12] =	ssyncadd.s32 $0xFFFFD800  }
0x48: {  	[tilespmem:s16], [sflag:$0x1] =	stream.indirect.gather [hbm4b:s4+s15], $0x80, s22, s15, $0xb8;
	[tilespmem:$0x1F600] =	vst v63  }
0x49: {  	_ =	swait.ge [sflag:s19], $0x2800  }
0x4a: {  	[sflag:s19] =	ssyncset.done $0x0  }
0x4b: {  	s31 =	sadd.s32 $0x16800, s23;
	[sflag:s19] =	ssyncadd.s32 $0xFFFFD800  }
0x4c: {  	[spmem:s2] =	stream.indirect.scatter.add.f32 [tilespmem:s17], [sflag:$0x3], $0x80, s31, s15, $0xb8;
	[tilespmem:$0x1F600] =	vst v63  }
0x4d: {  	_ =	swait.ge [sflag:s12], $0x2800  }
0x4e: {  	[sflag:s12] =	ssyncset.done $0x0  }
0x4f: {  	[sflag:s12] =	ssyncadd.s32 $0xFFFFD800  }
0x50: {  	_ =	swait.ge [sflag:s18], $0x2800  }
0x51: {  	[sflag:s18] =	ssyncset.done $0x0  }
0x52: {  	[sflag:s18] =	ssyncadd.s32 $0xFFFFD800  }
0x53: {  	[spmem:s2] =	stream.indirect.scatter.add.f32 [tilespmem:s16], [sflag:$0x3], $0x80, s20, s15, $0xb8;
	[tilespmem:$0x1F600] =	vst v63  }
0x54: {  	_ =	swait.ge [sflag:s12], $0x2800  }
0x55: {  	s21 =	sadd.s32 $0x1, s21;
	[sflag:s12] =	ssyncset.done $0x0  }
0x56: {  	p0 =	sne.s32 s21, s10;
	[sflag:s12] =	ssyncadd.s32 $0xFFFFD800  }
.Ltmp1:
0x57: {  	[bflag:$0x0] =	sbarrier.arrive $0xFFFF;
	(pc) =	sbr.rel @p0 .LBB2_1-.Ltmp1, $4  }
0x58: {  	[hbm:s9], [sflag:s6] =	dma.local [spmem:s11], $0x2800  }
0x59: {  	_ =	swait.ge [sflag:s12], $0x2800  }
0x5a: {  	[sflag:s12] =	ssyncset.done $0x0  }
0x5b: {  	[sflag:s12] =	ssyncadd.s32 $0xFFFFD800  }
0x5c: {  	_ =	sfence.sel $0x180000  }
0x5d: {  	[bflag:$0x0] =	sbarrier.arrive $0xFFFF  }
0x5e: {  	p0 =	sne.s32 s0, $0x0;
	_ =	strace $0x9000004A  }
0x5f: {  	s0 =	sadd.s32 @!p0 $0x100000, s1;
	[bflag:$0x2] =	sbarrier.arrive $0xFFFF  }
0x60: {  	[sflag:s0] =	ssyncadd.tile.s32 @!p0 $0x1;
	_ =	shalt  }
.Lfunc_end2:
_tile_overlayer_lowered:
.L_overlay_start_2:
0x61: {  	(tag) =	ssettag $0x2  }
0x62: {  	s0 =	rddreg [dreg:$0x0];
	s2 =	stileid.u32  }
0x63: {  	s1 =	rddreg [dreg:$0x1];
	p0 =	sne.s32 s2, $0x0  }
0x64: {  	s3 =	rddreg [dreg:$0x2];
	[bflag:$0x3] =	sbarrier.arrive $0xFFFF;
	s2 =	simm.s32 @!p0 $0x1C03  }
0x65: {  	[timem:s3], [sflag:s2] =	dma.local @!p0 [hbm:s0], s1  }
0x66: {  	s0 =	simm.s32 @!p0 $0x3  }
0x67: {  	_ =	swait.ge @!p0 [sflag:s0], s1  }
0x68: {  	s1 =	ssub.s32 @!p0 $0x0, s1;
	[sflag:s0] =	ssyncset.done @!p0 $0x0  }
0x69: {  	[sflag:s0] =	ssyncadd.s32 @!p0 s1  }
0x6a: {  	[bflag:$0x3] =	sbarrier.arrive $0xFFFF  }
0x6b: {  	_ =	shalt  }

// kernel: kernel.14.cloned.1.call-start
scs
__scs_entry_jumppad:
0x0: {  	(pc) =	sbr.rel $0x88, $3  }
0x1: {  	(tag) =	ssettag $0x0;
	lr =	simm.s32 $0x1  }
0x2: {  	[smem:$0x3F98] =	sst lr;
	_ =	strace $0xD0000000  }
0x3: {  	_ = 	snop  }
0x4: {  	_ = 	snop  }
0x5: {  	_ = 	snop  }
0x6: {  	_ = 	snop  }
0x7: {  	_ = 	snop  }
__scs_overlays_trampoline_lowered:
0x8: {  	[smem:$0x3FA7] =	sst s0  }
0x9: {  	[smem:$0x3FA8] =	sst s1  }
0xa: {  	[smem:$0x3FA9] =	sst s2  }
0xb: {  	[smem:$0x3FAA] =	sst s3  }
0xc: {  	[smem:$0x3FAB] =	sst s4  }
0xd: {  	[smem:$0x3FAC] =	sst s5  }
0xe: {  	[smem:$0x3FAD] =	sst s6  }
0xf: {  	[smem:$0x3FAE] =	sst s7  }
0x10: {  	[smem:$0x3FAF] =	sst s8  }
0x11: {  	[smem:$0x3FB0] =	sst s9;
	s0 =	simm.s32 @!p0 $0x0  }
0x12: {  	s1 =	sld [smem:$0x3F96];
	s0 =	simm.s32 @p0 $0x1  }
0x13: {  	[smem:$0x3FB1] =	sst s0;
	s0 =	simm.s32 @!p1 $0x0  }
0x14: {  	s2 =	sld [smem:$0x3F95];
	s0 =	simm.s32 @p1 $0x1  }
0x15: {  	[smem:$0x3FB2] =	sst s0;
	s0 =	simm.s32 @!p2 $0x0  }
0x16: {  	s3 =	sld [smem:$0x3FDB];
	s0 =	simm.s32 @p2 $0x1  }
0x17: {  	s4 =	simm.s32 $0x1BF5;
	[smem:$0x3FB4] =	sst s0  }
0x18: {  	s0 =	sld [smem:$0x3F97];
	_ =	swait.ge [sflag:s4], $0x0  }
0x19: {  	s7 =	sld [smem:$0x3F98]  }
0x1a: {  	s8 =	sadd.s32 $0xFFFFE003, lr  }
0x1b: {  	s9 =	sadd.s32 $0xFFFFFEF7, lr;
	s5 =	simm.s32 $0xFFFFFFFF;
	p2 =	slt.u32 s8, $0xFFFFF086  }
0x1c: {  	p1 =	slt.u32 s9, $0xF7A;
	s5 =	simm.s32 @!p2 $0x0  }
0x1d: {  	s5 =	simm.s32 @p1 $0x1;
	p0 =	seq.s32 s7, s2  }
0x1e: {  	s7 =	smul.u32 @!p0 $0xF7A, s2;
	p2 =	seq.s32 @!p0 s5, $0x0  }
0x1f: {  	s9 =	smul.u32 $0xF7A, s1;
	s8 =	simm.s32 @!p0 $0x1BF5;
	p2 =	por !p2, p0  }
0x20: {  	[sflag:s8] =	ssyncset.s32 @!p0 $0xFFFFF086;
	s6 =	sadd.s32 @!p0 s3, s7;
	s7 =	simm.s32 @!p0 $0x108  }
0x21: {  	s3 =	sadd.s32 s3, s9;
	s6 =	sadd.s32 @!p0 $0x88, s6;
	s7 =	simm.s32 @p2 $0x1082  }
0x22: {  	[simem:s7], [sflag:s8] =	dma.local @!p0 [hbm:s6], $0xF7A  }
0x23: {  	s9 =	sor.u32 $0xD0000000, s2;
	s6 =	simm.s32 $0x108;
	_ =	swait.ge @!p0 [sflag:s8], $0x0  }
0x24: {  	s3 =	sadd.s32 $0x88, s3;
	s6 =	simm.s32 @!p1 $0x1082;
	[sflag:s4] =	ssyncset.s32 $0xFFFFF086  }
0x25: {  	[simem:s6], [sflag:s4] =	dma.local [hbm:s3], $0xF7A  }
0x26: {  	[smem:$0x3F98] =	sst s1;
	(tag) =	ssettag s2;
	_ =	strace s9  }
0x27: {  	s1 =	sld [smem:$0x3FA8]  }
0x28: {  	s2 =	sld [smem:$0x3FA9]  }
0x29: {  	s4 =	sld [smem:$0x3FAB]  }
0x2a: {  	p0 =	seq.s32 s5, $0x0;
	s5 =	sld [smem:$0x3FAC]  }
0x2b: {  	s6 =	sld [smem:$0x3FAD]  }
0x2c: {  	s7 =	sld [smem:$0x3FAE]  }
0x2d: {  	s3 =	simm.s32 $0x108;
	s8 =	sld [smem:$0x3FAF]  }
0x2e: {  	s3 =	simm.s32 @!p0 $0x1082;
	s9 =	sld [smem:$0x3FB0]  }
0x2f: {  	lr =	sadd.s32 s0, s3;
	s0 =	sld [smem:$0x3FA7]  }
0x30: {  	s3 =	sld [smem:$0x3FAA]  }
0x31: {  	[smem:$0x3FB3] =	sst s10  }
0x32: {  	s10 =	sld [smem:$0x3FB1];
	_ =	sdelay $0x3  }
0x33: {  	p0 =	seq.s32 s10, $0x1;
	s10 =	sld [smem:$0x3FB3];
	_ =	sdelay $0x3  }
0x34: {  	[smem:$0x3FB3] =	sst s10  }
0x35: {  	s10 =	sld [smem:$0x3FB2];
	_ =	sdelay $0x3  }
0x36: {  	p1 =	seq.s32 s10, $0x1;
	s10 =	sld [smem:$0x3FB3];
	_ =	sdelay $0x3  }
0x37: {  	[smem:$0x3FB3] =	sst s10  }
0x38: {  	s10 =	sld [smem:$0x3FB4]  }
0x39: {  	_ = 	snop;
	(pc) =	sbr.ind lr, $3  }
0x3a: {  	_ = 	snop  }
0x3b: {  	_ = 	snop  }
0x3c: {  	p2 =	seq.s32 s10, $0x1;
	s10 =	sld [smem:$0x3FB3]  }
0x3d: {  	_ =	shalt  }
0x3e: {  	_ =	shalt  }
0x3f: {  	_ =	shalt  }
0x40: {  	_ =	shalt  }
0x41: {  	_ =	shalt  }
0x42: {  	_ =	shalt  }
0x43: {  	_ =	shalt  }
0x44: {  	_ =	shalt  }
0x45: {  	_ =	shalt  }
0x46: {  	_ =	shalt  }
0x47: {  	_ =	shalt  }
0x48: {  	_ =	shalt  }
0x49: {  	_ =	shalt  }
0x4a: {  	_ =	shalt  }
0x4b: {  	_ =	shalt  }
0x4c: {  	_ =	shalt  }
0x4d: {  	_ =	shalt  }
0x4e: {  	_ =	shalt  }
0x4f: {  	_ =	shalt  }
0x50: {  	_ =	shalt  }
0x51: {  	_ =	shalt  }
0x52: {  	_ =	shalt  }
0x53: {  	_ =	shalt  }
0x54: {  	_ =	shalt  }
0x55: {  	_ =	shalt  }
0x56: {  	_ =	shalt  }
0x57: {  	_ =	shalt  }
0x58: {  	_ =	shalt  }
0x59: {  	_ =	shalt  }
0x5a: {  	_ =	shalt  }
0x5b: {  	_ =	shalt  }
0x5c: {  	_ =	shalt  }
0x5d: {  	_ =	shalt  }
0x5e: {  	_ =	shalt  }
0x5f: {  	_ =	shalt  }
0x60: {  	_ =	shalt  }
0x61: {  	_ =	shalt  }
0x62: {  	_ =	shalt  }
0x63: {  	_ =	shalt  }
0x64: {  	_ =	shalt  }
0x65: {  	_ =	shalt  }
0x66: {  	_ =	shalt  }
0x67: {  	_ =	shalt  }
0x68: {  	_ =	shalt  }
0x69: {  	_ =	shalt  }
0x6a: {  	_ =	shalt  }
0x6b: {  	_ =	shalt  }
0x6c: {  	_ =	shalt  }
0x6d: {  	_ =	shalt  }
0x6e: {  	_ =	shalt  }
0x6f: {  	_ =	shalt  }
0x70: {  	_ =	shalt  }
0x71: {  	_ =	shalt  }
0x72: {  	_ =	shalt  }
0x73: {  	_ =	shalt  }
0x74: {  	_ =	shalt  }
0x75: {  	_ =	shalt  }
0x76: {  	_ =	shalt  }
0x77: {  	_ =	shalt  }
0x78: {  	_ =	shalt  }
0x79: {  	_ =	shalt  }
0x7a: {  	_ =	shalt  }
0x7b: {  	_ =	shalt  }
0x7c: {  	_ =	shalt  }
0x7d: {  	_ =	shalt  }
0x7e: {  	_ =	shalt  }
0x7f: {  	_ =	shalt  }
0x80: {  	_ =	shalt  }
0x81: {  	_ =	shalt  }
0x82: {  	_ =	shalt  }
0x83: {  	_ =	shalt  }
0x84: {  	_ =	shalt  }
0x85: {  	_ =	shalt  }
0x86: {  	_ =	shalt  }
0x87: {  	_ =	shalt  }
.Lfunc_end0:
.L_simem_size_0:
called_computation.2_lowered:
.L_overlay_start_0:
0x88: {  	s2 =	sld [smem:$0x3FD9]  }
0x89: {  	s3 =	sld [smem:$0x3FFE];
	_ =	sdelay $0x1  }
0x8a: {  	s1 =	srdreg.scid  }
0x8b: {  	s0 =	sand.u32 $0x1, s1  }
0x8c: {  	s16 =	sshll.u32 s0, $0xA;
	s2 =	sadd.s32 s3, s2  }
0x8d: {  	s2 =	sadd.s32 s2, s16  }
0x8e: {  	[smem:$0x3FBF] =	sst s2  }
0x8f: {  	_ = 	snop  }
0x90: {  	(tm) =	ssettm $0x1  }
0x91: {  	s17 =	sld [smem:$0x3FFB];
	_ =	sdelay $0x3  }
0x92: {  	_ =	strace s17  }
0x93: {  	s2 =	sld [smem:$0x3FFC];
	_ =	sdelay $0x3  }
0x94: {  	_ =	strace s2  }
0x95: {  	s2 =	sld [smem:$0x3FFD];
	_ =	sdelay $0x3  }
0x96: {  	_ =	strace s2  }
0x97: {  	_ =	strace $0x8FFFFFFF  }
0x98: {  	s18 =	sld [smem:$0x3FDB];
	_ =	sdelay $0x1  }
0x99: {  	s19 =	simm.s32 $_scs_section_size  }
0x9a: {  	s4 =	simm.s32 $_size__tile_overlayer_lowered;
	s5 =	simm.s32 $_tile_overlayer_lowered  }
0x9b: {  	s22 =	simm.s32 $0x1BFF;
	s21 =	sshll.u32 s5, $0x1;
	s2 =	sadd.s32 s19, s18  }
0x9c: {  	s6 =	simm.s32 $0x0;
	s20 =	sshll.u32 s4, $0x1;
	s4 =	sadd.s32 s21, s2  }
0x9d: {  	[timem:s6], [sflag:s22] =	dma.local [hbm:s4], s20  }
0x9e: {  	_ =	swait.ge [sflag:s22], s20  }
0x9f: {  	s3 =	ssub.s32 $0x0, s20;
	[sflag:s22] =	ssyncset.done $0x0  }
0xa0: {  	[sflag:s22] =	ssyncadd.s32 s3;
	_ =	sdelay $0x1  }
0xa1: {  	s23 =	simm.s32 $0x1B8B  }
0xa2: {  	_ =	swait.ge [sflag:s23], $0x1  }
0xa3: {  	[sflag:s23] =	ssyncset.done $0x0  }
0xa4: {  	s25 =	simm.s32 $0x1B8E;
	s24 =	sld [smem:$0x3FFE];
	[sflag:s23] =	ssyncadd.s32 $0xFFFFFFFF  }
0xa5: {  	s26 =	simm.s32 $execute0_lowered;
	[smem:$0x3FD2] =	sst s25  }
0xa6: {  	s4 =	sshll.u32 s26, $0x1;
	_ =	strace $0x8000004C;
	[dreg:$0x1] =	wrdreg $0xFFFFFFFF  }
0xa7: {  	s28 =	simm.s32 $_size_execute0_lowered;
	s2 =	sadd.s32 s2, s4;
	[dreg:$0x0] =	wrdreg $0x0  }
0xa8: {  	s4 =	sshll.u32 s28, $0x1;
	[dreg:$0x2] =	wrdreg s2  }
0xa9: {  	[dreg:$0x3] =	wrdreg s4  }
0xaa: {  	[dreg:$0x4] =	wrdreg $0xC0  }
0xab: {  	_ =	task [dreg:s6], $0x5FFFF  }
0xac: {  	[dreg:$0x1] =	wrdreg $0xFFFFFFFF  }
0xad: {  	[dreg:$0x0] =	wrdreg $0x60  }
0xae: {  	[dreg:$0x2] =	wrdreg s24  }
0xaf: {  	[dreg:$0x3] =	wrdreg $0x0  }
0xb0: {  	[dreg:$0x4] =	wrdreg $0x9  }
0xb1: {  	_ =	task.clear_ibuf [dreg:s6], $0x5FFFF;
	_ =	strace $0x9000004C  }
0xb2: {  	s29 =	simm.s32 $0x9;
	_ =	strace $0x8000004E  }
0xb3: {  	_ =	swait.ge [sflag:s29], $0x1  }
0xb4: {  	[sflag:s29] =	ssyncadd.s32 $0xFFFFFFFF  }
0xb5: {  	_ =	strace $0x9000004E  }
0xb6: {  	_ =	sfence  }
0xb7: {  	s30 =	sld [smem:$0x0];
	_ =	sdelay $0x2  }
0xb8: {  	s31 =	sshll.u32 s1, $0xD;
	s1 =	sshrl.u32 s1, $0x2  }
0xb9: {  	s3 =	sand.u32 $0x4000, s31;
	s1 =	sadd.s32 s1, s30  }
0xba: {  	s0 =	sor.u32 s3, s0;
	s1 =	sshll.u32 s1, $0x11  }
0xbb: {  	s0 =	sor.u32 s1, s0  }
0xbc: {  	s0 =	sadd.s32 $0x8F2B, s0  }
0xbd: {  	[sflag:s0] =	ssyncadd.remote.s32 $0x1  }
0xbe: {  	_ =	sfence.sel $0xFFFF  }
0xbf: {  	[dreg:$0x0] =	wrdreg $0xFFFFFFFF;
	(pc) =	sbr.abs _section_cstart, $3  }
0xc0: {  	[dreg:$0x1] =	wrdreg $0xFFFFFFFF  }
0xc1: {  	_ =	task.clear_ibuf [dreg:s6], $0x2FFFF;
	_ =	strace $0x9FFFFFFF  }
0xc2: {  	(tm) =	ssettm $0x7FFFFFFF  }
0xc3: {  	_ =	shalt  }
tec
execute0_lowered:
.L_overlay_start_1:
0x0: {  	(tag) =	ssettag $0x1  }
0x1: {  	s7 =	rddreg [dreg:$0x0]  }
0x2: {  	s0 =	srdreg.scid;
	s2 =	rddreg [dreg:$0x1]  }
0x3: {  	s3 =	simm.s32 $0x0;
	s15 =	simm.s32 $0x50;
	s16 =	simm.s32 $0x1A600  }
0x4: {  	s17 =	simm.s32 $0x1CE00;
	s18 =	simm.s32 $0x1;
	s6 =	sand.u32 $0x1, s0  }
0x5: {  	s19 =	simm.s32 $0x2;
	s0 =	stileid.u32;
	s8 =	smul.u32 $0x140000, s6  }
0x6: {  	s20 =	simm.s32 $0x1A580;
	s21 =	simm.s32 $0x0;
	s9 =	smul.u32 $0x14000, s0  }
0x7: {  	[smem:$0x7FF] =	sst s3;
	s1 =	sshll.u32 s6, $0x4;
	s30 =	smul.u32 $0x50000, s0  }
0x8: {  	s6 =	ssub.s32 $0x2, s6;
	s12 =	sshll.u32 s0, $0x6;
	s4 =	sor.u32 s0, s1  }
0x9: {  	s1 =	rddreg [dreg:$0x2];
	_ =	strace $0x8000004D;
	s5 =	smul.u32 $0x4F0, s4  }
0xa: {  	s31 =	sshrl.u32 s6, $0x1;
	s10 =	smul.u32 $0x7D0, s4;
	s4 =	sadd.s32 $0x6EE00, s7  }
0xb: {  	s28 =	sadd.s32 s9, s8;
	s13 =	ssub.s32 s6, s31;
	s6 =	sor.u32 $0x1C03, s12  }
0xc: {  	s12 =	simm.s32 $0x3;
	s9 =	sshrl.u32 s28, $0x3;
	s11 =	sadd.s32 s5, s7  }
0xd: {  	s29 =	sadd.s32 s10, s7;
	s5 =	sadd.s32 $0x12800, s7;
	s10 =	sshrl.u32 s30, $0x2  }
0xe: {  	s9 =	sadd.s32 s9, s7;
	s14 =	sadd.s32 s10, s2;
	s7 =	sadd.s32 $0x65000, s11  }
0xf: {  	s8 =	sadd.s32 $0x2E00, s29;
	s9 =	sadd.s32 $0x96000, s9;
	s10 =	smax.u32 s13, $0x1  }
0x10: {  	s13 =	simm.s32 $0x14000;
	s11 =	sshrl.u32 s14, $0x3;
	s14 =	simm.s32 $0x16780  }
.LBB2_1:
0x11: {  	[spmem:s11], [sflag:s6] =	dma.local [hbm:s5], $0x2800  }
0x12: {  	_ =	swait.ge [sflag:s12], $0x2800  }
0x13: {  	[sflag:s12] =	ssyncset.done $0x0  }
0x14: {  	[sflag:s12] =	ssyncadd.s32 $0xFFFFD800  }
0x15: {  	[tilespmem:s13], [sflag:$0x3] =	stream.linear.gather [hbm4b:s7+s3], $0x2780, $0x38;
	[tilespmem:$0x1F600] =	vst v63  }
0x16: {  	_ =	swait.ge [sflag:s12], $0x2780  }
0x17: {  	[sflag:s12] =	ssyncset.done $0x0  }
0x18: {  	[sflag:s12] =	ssyncadd.s32 $0xFFFFD880  }
0x19: {  	[tilespmem:s14], [sflag:$0x3] =	stream.linear.gather [hbm4b:s8+s3], $0x3E80, $0x38;
	[tilespmem:$0x1F600] =	vst v63  }
0x1a: {  	_ =	swait.ge [sflag:s12], $0x3E80  }
0x1b: {  	[sflag:s12] =	ssyncset.done $0x0  }
0x1c: {  	[sflag:s12] =	ssyncadd.s32 $0xFFFFC180  }
0x1d: {  	[bflag:$0x0] =	sbarrier.arrive $0xFFFF  }
0x1e: {  	[tilespmem:s16], [sflag:$0x1] =	stream.indirect.gather [hbm4b:s4+s15], $0x80, s13, s15, $0xb8;
	[tilespmem:$0x1F600] =	vst v63  }
0x1f: {  	s22 =	simm.s32 $0x14050  }
0x20: {  	[tilespmem:s17], [sflag:$0x2] =	stream.indirect.gather [hbm4b:s4+s15], $0x80, s22, s15, $0xb8;
	[tilespmem:$0x1F600] =	vst v63  }
0x21: {  	_ =	swait.ge [sflag:s18], $0x2800  }
0x22: {  	[sflag:s18] =	ssyncset.done $0x0  }
0x23: {  	s29 =	simm.s32 $0x16780;
	[sflag:s18] =	ssyncadd.s32 $0xFFFFD800  }
0x24: {  	[spmem:s2] =	stream.indirect.scatter.add.f32 [tilespmem:s16], [sflag:$0x3], $0x80, s29, s15, $0xb8;
	[tilespmem:$0x1F600] =	vst v63  }
0x25: {  	_ =	swait.ge [sflag:s12], $0x2800  }
0x26: {  	[sflag:s12] =	ssyncset.done $0x0  }
0x27: {  	s30 =	simm.s32 $0x140A0;
	[sflag:s12] =	ssyncadd.s32 $0xFFFFD800  }
0x28: {  	[tilespmem:s16], [sflag:$0x1] =	stream.indirect.gather [hbm4b:s4+s15], $0x80, s30, s15, $0xb8;
	[tilespmem:$0x1F600] =	vst v63  }
0x29: {  	_ =	swait.ge [sflag:s19], $0x2800  }
0x2a: {  	[sflag:s19] =	ssyncset.done $0x0  }
0x2b: {  	s31 =	simm.s32 $0x16800;
	[sflag:s19] =	ssyncadd.s32 $0xFFFFD800  }
0x2c: {  	[spmem:s2] =	stream.indirect.scatter.add.f32 [tilespmem:s17], [sflag:$0x3], $0x80, s31, s15, $0xb8;
	[tilespmem:$0x1F600] =	vst v63  }
0x2d: {  	s23 =	simm.s32 $0x400;
	_ =	swait.ge [sflag:s12], $0x2800  }
0x2e: {  	s24 =	simm.s32 $0x800;
	s22 =	simm.s32 $0x14140;
	[sflag:s12] =	ssyncset.done $0x0  }
.LBB2_2:
0x2f: {  	p0 =	sne.s32 s24, $0xF400;
	s25 =	sadd.s32 $0xFFFFFFB0, s22;
	[sflag:s12] =	ssyncadd.s32 $0xFFFFD800  }
0x30: {  	[tilespmem:s17], [sflag:$0x2] =	stream.indirect.gather [hbm4b:s4+s15], $0x80, s25, s15, $0xb8;
	[tilespmem:$0x1F600] =	vst v63  }
0x31: {  	s25 =	smov.u32 s24;
	s24 =	sadd.s32 $0x400, s24;
	_ =	swait.ge [sflag:s18], $0x2800  }
0x32: {  	s26 =	sshra.s32 s23, $0x2;
	s23 =	smov.u32 s25;
	[sflag:s18] =	ssyncset.done $0x0  }
0x33: {  	s25 =	sadd.s32 $0x16780, s26;
	[sflag:s18] =	ssyncadd.s32 $0xFFFFD800  }
0x34: {  	[spmem:s2] =	stream.indirect.scatter.add.f32 [tilespmem:s16], [sflag:$0x3], $0x80, s25, s15, $0xb8;
	[tilespmem:$0x1F600] =	vst v63  }
0x35: {  	_ =	swait.ge [sflag:s12], $0x2800  }
0x36: {  	[sflag:s12] =	ssyncset.done $0x0  }
0x37: {  	[sflag:s12] =	ssyncadd.s32 $0xFFFFD800  }
0x38: {  	[tilespmem:s16], [sflag:$0x1] =	stream.indirect.gather [hbm4b:s4+s15], $0x80, s22, s15, $0xb8;
	[tilespmem:$0x1F600] =	vst v63  }
0x39: {  	_ =	swait.ge [sflag:s19], $0x2800  }
.Ltmp0:
0x3a: {  	[sflag:s19] =	ssyncset.done $0x0;
	(pc) =	sbr.rel @p0 .LBB2_2-.Ltmp0, $4  }
0x3b: {  	s25 =	sadd.s32 $0x16800, s26;
	[sflag:s19] =	ssyncadd.s32 $0xFFFFD800  }
0x3c: {  	[spmem:s2] =	stream.indirect.scatter.add.f32 [tilespmem:s17], [sflag:$0x3], $0x80, s25, s15, $0xb8;
	[tilespmem:$0x1F600] =	vst v63  }
0x3d: {  	_ =	swait.ge [sflag:s12], $0x2800  }
0x3e: {  	s22 =	sadd.s32 $0xA0, s22;
	[sflag:s12] =	ssyncset.done $0x0  }
0x3f: {  	s24 =	sadd.s32 $0xFFFFFFB0, s22;
	[sflag:s12] =	ssyncadd.s32 $0xFFFFD800  }
0x40: {  	[tilespmem:s17], [sflag:$0x2] =	stream.indirect.gather [hbm4b:s4+s15], $0x80, s24, s15, $0xb8;
	[tilespmem:$0x1F600] =	vst v63  }
0x41: {  	_ =	swait.ge [sflag:s18], $0x2800  }
0x42: {  	s23 =	sshra.s32 s23, $0x2;
	[sflag:s18] =	ssyncset.done $0x0  }
0x43: {  	s30 =	sadd.s32 $0x16780, s23;
	[sflag:s18] =	ssyncadd.s32 $0xFFFFD800  }
0x44: {  	[spmem:s2] =	stream.indirect.scatter.add.f32 [tilespmem:s16], [sflag:$0x3], $0x80, s30, s15, $0xb8;
	[tilespmem:$0x1F600] =	vst v63  }
0x45: {  	_ =	swait.ge [sflag:s12], $0x2800  }
0x46: {  	[sflag:s12] =	ssyncset.done $0x0  }
0x47: {  	[sflag:s12] =	ssyncadd.s32 $0xFFFFD800  }
0x48: {  	[tilespmem:s16], [sflag:$0x1] =	stream.indirect.gather [hbm4b:s4+s15], $0x80, s22, s15, $0xb8;
	[tilespmem:$0x1F600] =	vst v63  }
0x49: {  	_ =	swait.ge [sflag:s19], $0x2800  }
0x4a: {  	[sflag:s19] =	ssyncset.done $0x0  }
0x4b: {  	s31 =	sadd.s32 $0x16800, s23;
	[sflag:s19] =	ssyncadd.s32 $0xFFFFD800  }
0x4c: {  	[spmem:s2] =	stream.indirect.scatter.add.f32 [tilespmem:s17], [sflag:$0x3], $0x80, s31, s15, $0xb8;
	[tilespmem:$0x1F600] =	vst v63  }
0x4d: {  	_ =	swait.ge [sflag:s12], $0x2800  }
0x4e: {  	[sflag:s12] =	ssyncset.done $0x0  }
0x4f: {  	[sflag:s12] =	ssyncadd.s32 $0xFFFFD800  }
0x50: {  	_ =	swait.ge [sflag:s18], $0x2800  }
0x51: {  	[sflag:s18] =	ssyncset.done $0x0  }
0x52: {  	[sflag:s18] =	ssyncadd.s32 $0xFFFFD800  }
0x53: {  	[spmem:s2] =	stream.indirect.scatter.add.f32 [tilespmem:s16], [sflag:$0x3], $0x80, s20, s15, $0xb8;
	[tilespmem:$0x1F600] =	vst v63  }
0x54: {  	_ =	swait.ge [sflag:s12], $0x2800  }
0x55: {  	s21 =	sadd.s32 $0x1, s21;
	[sflag:s12] =	ssyncset.done $0x0  }
0x56: {  	p0 =	sne.s32 s21, s10;
	[sflag:s12] =	ssyncadd.s32 $0xFFFFD800  }
.Ltmp1:
0x57: {  	[bflag:$0x0] =	sbarrier.arrive $0xFFFF;
	(pc) =	sbr.rel @p0 .LBB2_1-.Ltmp1, $4  }
0x58: {  	[hbm:s9], [sflag:s6] =	dma.local [spmem:s11], $0x2800  }
0x59: {  	_ =	swait.ge [sflag:s12], $0x2800  }
0x5a: {  	[sflag:s12] =	ssyncset.done $0x0  }
0x5b: {  	[sflag:s12] =	ssyncadd.s32 $0xFFFFD800  }
0x5c: {  	_ =	sfence.sel $0x180000  }
0x5d: {  	[bflag:$0x0] =	sbarrier.arrive $0xFFFF  }
0x5e: {  	p0 =	sne.s32 s0, $0x0;
	_ =	strace $0x9000004D  }
0x5f: {  	s0 =	sadd.s32 @!p0 $0x100000, s1;
	[bflag:$0x2] =	sbarrier.arrive $0xFFFF  }
0x60: {  	[sflag:s0] =	ssyncadd.tile.s32 @!p0 $0x1;
	_ =	shalt  }
.Lfunc_end2:
_tile_overlayer_lowered:
.L_overlay_start_2:
0x61: {  	(tag) =	ssettag $0x2  }
0x62: {  	s0 =	rddreg [dreg:$0x0];
	s2 =	stileid.u32  }
0x63: {  	s1 =	rddreg [dreg:$0x1];
	p0 =	sne.s32 s2, $0x0  }
0x64: {  	s3 =	rddreg [dreg:$0x2];
	[bflag:$0x3] =	sbarrier.arrive $0xFFFF;
	s2 =	simm.s32 @!p0 $0x1C03  }
0x65: {  	[timem:s3], [sflag:s2] =	dma.local @!p0 [hbm:s0], s1  }
0x66: {  	s0 =	simm.s32 @!p0 $0x3  }
0x67: {  	_ =	swait.ge @!p0 [sflag:s0], s1  }
0x68: {  	s1 =	ssub.s32 @!p0 $0x0, s1;
	[sflag:s0] =	ssyncset.done @!p0 $0x0  }
0x69: {  	[sflag:s0] =	ssyncadd.s32 @!p0 s1  }
0x6a: {  	[bflag:$0x3] =	sbarrier.arrive $0xFFFF  }
0x6b: {  	_ =	shalt  }

// kernel: kernel.8.cloned.1.call-start
scs
__scs_entry_jumppad:
0x0: {  	(pc) =	sbr.rel $0x88, $3  }
0x1: {  	(tag) =	ssettag $0x0;
	lr =	simm.s32 $0x1  }
0x2: {  	[smem:$0x3F98] =	sst lr;
	_ =	strace $0xD0000000  }
0x3: {  	_ = 	snop  }
0x4: {  	_ = 	snop  }
0x5: {  	_ = 	snop  }
0x6: {  	_ = 	snop  }
0x7: {  	_ = 	snop  }
__scs_overlays_trampoline_lowered:
0x8: {  	[smem:$0x3FA7] =	sst s0  }
0x9: {  	[smem:$0x3FA8] =	sst s1  }
0xa: {  	[smem:$0x3FA9] =	sst s2  }
0xb: {  	[smem:$0x3FAA] =	sst s3  }
0xc: {  	[smem:$0x3FAB] =	sst s4  }
0xd: {  	[smem:$0x3FAC] =	sst s5  }
0xe: {  	[smem:$0x3FAD] =	sst s6  }
0xf: {  	[smem:$0x3FAE] =	sst s7  }
0x10: {  	[smem:$0x3FAF] =	sst s8  }
0x11: {  	[smem:$0x3FB0] =	sst s9;
	s0 =	simm.s32 @!p0 $0x0  }
0x12: {  	s1 =	sld [smem:$0x3F96];
	s0 =	simm.s32 @p0 $0x1  }
0x13: {  	[smem:$0x3FB1] =	sst s0;
	s0 =	simm.s32 @!p1 $0x0  }
0x14: {  	s2 =	sld [smem:$0x3F95];
	s0 =	simm.s32 @p1 $0x1  }
0x15: {  	[smem:$0x3FB2] =	sst s0;
	s0 =	simm.s32 @!p2 $0x0  }
0x16: {  	s3 =	sld [smem:$0x3FDB];
	s0 =	simm.s32 @p2 $0x1  }
0x17: {  	s4 =	simm.s32 $0x1BF5;
	[smem:$0x3FB4] =	sst s0  }
0x18: {  	s0 =	sld [smem:$0x3F97];
	_ =	swait.ge [sflag:s4], $0x0  }
0x19: {  	s7 =	sld [smem:$0x3F98]  }
0x1a: {  	s8 =	sadd.s32 $0xFFFFE003, lr  }
0x1b: {  	s9 =	sadd.s32 $0xFFFFFEF7, lr;
	s5 =	simm.s32 $0xFFFFFFFF;
	p2 =	slt.u32 s8, $0xFFFFF086  }
0x1c: {  	p1 =	slt.u32 s9, $0xF7A;
	s5 =	simm.s32 @!p2 $0x0  }
0x1d: {  	s5 =	simm.s32 @p1 $0x1;
	p0 =	seq.s32 s7, s2  }
0x1e: {  	s7 =	smul.u32 @!p0 $0xF7A, s2;
	p2 =	seq.s32 @!p0 s5, $0x0  }
0x1f: {  	s9 =	smul.u32 $0xF7A, s1;
	s8 =	simm.s32 @!p0 $0x1BF5;
	p2 =	por !p2, p0  }
0x20: {  	[sflag:s8] =	ssyncset.s32 @!p0 $0xFFFFF086;
	s6 =	sadd.s32 @!p0 s3, s7;
	s7 =	simm.s32 @!p0 $0x108  }
0x21: {  	s3 =	sadd.s32 s3, s9;
	s6 =	sadd.s32 @!p0 $0x88, s6;
	s7 =	simm.s32 @p2 $0x1082  }
0x22: {  	[simem:s7], [sflag:s8] =	dma.local @!p0 [hbm:s6], $0xF7A  }
0x23: {  	s9 =	sor.u32 $0xD0000000, s2;
	s6 =	simm.s32 $0x108;
	_ =	swait.ge @!p0 [sflag:s8], $0x0  }
0x24: {  	s3 =	sadd.s32 $0x88, s3;
	s6 =	simm.s32 @!p1 $0x1082;
	[sflag:s4] =	ssyncset.s32 $0xFFFFF086  }
0x25: {  	[simem:s6], [sflag:s4] =	dma.local [hbm:s3], $0xF7A  }
0x26: {  	[smem:$0x3F98] =	sst s1;
	(tag) =	ssettag s2;
	_ =	strace s9  }
0x27: {  	s1 =	sld [smem:$0x3FA8]  }
0x28: {  	s2 =	sld [smem:$0x3FA9]  }
0x29: {  	s4 =	sld [smem:$0x3FAB]  }
0x2a: {  	p0 =	seq.s32 s5, $0x0;
	s5 =	sld [smem:$0x3FAC]  }
0x2b: {  	s6 =	sld [smem:$0x3FAD]  }
0x2c: {  	s7 =	sld [smem:$0x3FAE]  }
0x2d: {  	s3 =	simm.s32 $0x108;
	s8 =	sld [smem:$0x3FAF]  }
0x2e: {  	s3 =	simm.s32 @!p0 $0x1082;
	s9 =	sld [smem:$0x3FB0]  }
0x2f: {  	lr =	sadd.s32 s0, s3;
	s0 =	sld [smem:$0x3FA7]  }
0x30: {  	s3 =	sld [smem:$0x3FAA]  }
0x31: {  	[smem:$0x3FB3] =	sst s10  }
0x32: {  	s10 =	sld [smem:$0x3FB1];
	_ =	sdelay $0x3  }
0x33: {  	p0 =	seq.s32 s10, $0x1;
	s10 =	sld [smem:$0x3FB3];
	_ =	sdelay $0x3  }
0x34: {  	[smem:$0x3FB3] =	sst s10  }
0x35: {  	s10 =	sld [smem:$0x3FB2];
	_ =	sdelay $0x3  }
0x36: {  	p1 =	seq.s32 s10, $0x1;
	s10 =	sld [smem:$0x3FB3];
	_ =	sdelay $0x3  }
0x37: {  	[smem:$0x3FB3] =	sst s10  }
0x38: {  	s10 =	sld [smem:$0x3FB4]  }
0x39: {  	_ = 	snop;
	(pc) =	sbr.ind lr, $3  }
0x3a: {  	_ = 	snop  }
0x3b: {  	_ = 	snop  }
0x3c: {  	p2 =	seq.s32 s10, $0x1;
	s10 =	sld [smem:$0x3FB3]  }
0x3d: {  	_ =	shalt  }
0x3e: {  	_ =	shalt  }
0x3f: {  	_ =	shalt  }
0x40: {  	_ =	shalt  }
0x41: {  	_ =	shalt  }
0x42: {  	_ =	shalt  }
0x43: {  	_ =	shalt  }
0x44: {  	_ =	shalt  }
0x45: {  	_ =	shalt  }
0x46: {  	_ =	shalt  }
0x47: {  	_ =	shalt  }
0x48: {  	_ =	shalt  }
0x49: {  	_ =	shalt  }
0x4a: {  	_ =	shalt  }
0x4b: {  	_ =	shalt  }
0x4c: {  	_ =	shalt  }
0x4d: {  	_ =	shalt  }
0x4e: {  	_ =	shalt  }
0x4f: {  	_ =	shalt  }
0x50: {  	_ =	shalt  }
0x51: {  	_ =	shalt  }
0x52: {  	_ =	shalt  }
0x53: {  	_ =	shalt  }
0x54: {  	_ =	shalt  }
0x55: {  	_ =	shalt  }
0x56: {  	_ =	shalt  }
0x57: {  	_ =	shalt  }
0x58: {  	_ =	shalt  }
0x59: {  	_ =	shalt  }
0x5a: {  	_ =	shalt  }
0x5b: {  	_ =	shalt  }
0x5c: {  	_ =	shalt  }
0x5d: {  	_ =	shalt  }
0x5e: {  	_ =	shalt  }
0x5f: {  	_ =	shalt  }
0x60: {  	_ =	shalt  }
0x61: {  	_ =	shalt  }
0x62: {  	_ =	shalt  }
0x63: {  	_ =	shalt  }
0x64: {  	_ =	shalt  }
0x65: {  	_ =	shalt  }
0x66: {  	_ =	shalt  }
0x67: {  	_ =	shalt  }
0x68: {  	_ =	shalt  }
0x69: {  	_ =	shalt  }
0x6a: {  	_ =	shalt  }
0x6b: {  	_ =	shalt  }
0x6c: {  	_ =	shalt  }
0x6d: {  	_ =	shalt  }
0x6e: {  	_ =	shalt  }
0x6f: {  	_ =	shalt  }
0x70: {  	_ =	shalt  }
0x71: {  	_ =	shalt  }
0x72: {  	_ =	shalt  }
0x73: {  	_ =	shalt  }
0x74: {  	_ =	shalt  }
0x75: {  	_ =	shalt  }
0x76: {  	_ =	shalt  }
0x77: {  	_ =	shalt  }
0x78: {  	_ =	shalt  }
0x79: {  	_ =	shalt  }
0x7a: {  	_ =	shalt  }
0x7b: {  	_ =	shalt  }
0x7c: {  	_ =	shalt  }
0x7d: {  	_ =	shalt  }
0x7e: {  	_ =	shalt  }
0x7f: {  	_ =	shalt  }
0x80: {  	_ =	shalt  }
0x81: {  	_ =	shalt  }
0x82: {  	_ =	shalt  }
0x83: {  	_ =	shalt  }
0x84: {  	_ =	shalt  }
0x85: {  	_ =	shalt  }
0x86: {  	_ =	shalt  }
0x87: {  	_ =	shalt  }
.Lfunc_end0:
.L_simem_size_0:
called_computation_lowered:
.L_overlay_start_0:
0x88: {  	s2 =	sld [smem:$0x3FD9]  }
0x89: {  	s3 =	sld [smem:$0x3FFE];
	_ =	sdelay $0x1  }
0x8a: {  	s1 =	srdreg.scid  }
0x8b: {  	s0 =	sand.u32 $0x1, s1  }
0x8c: {  	s14 =	sshll.u32 s0, $0xA;
	s2 =	sadd.s32 s3, s2  }
0x8d: {  	s2 =	sadd.s32 s2, s14  }
0x8e: {  	[smem:$0x3FBF] =	sst s2  }
0x8f: {  	_ = 	snop  }
0x90: {  	s2 =	sld [smem:$0x3FD0];
	_ =	sdelay $0x2  }
0x91: {  	s15 =	simm.s32 $0xA;
	s4 =	simm.s32 $0x10  }
0x92: {  	[smem:s4], [sflag:s15] =	dma.local [hbm:s2], $0x1  }
0x93: {  	_ =	swait.eq [sflag:s15], $0x1  }
0x94: {  	[sflag:s15] =	ssyncset.done $0x0  }
0x95: {  	[sflag:s15] =	ssyncadd.s32 $0xFFFFFFFF  }
0x96: {  	s16 =	sld [smem:$0x11];
	(tm) =	ssettm $0x1  }
0x97: {  	s17 =	sld [smem:$0x3FFB];
	_ =	sdelay $0x3  }
0x98: {  	_ =	strace s17  }
0x99: {  	s3 =	sld [smem:$0x3FFC];
	_ =	sdelay $0x3  }
0x9a: {  	_ =	strace s3  }
0x9b: {  	s3 =	sld [smem:$0x3FFD];
	_ =	sdelay $0x3  }
0x9c: {  	_ =	strace s3  }
0x9d: {  	_ =	strace $0x8FFFFFFF  }
0x9e: {  	s18 =	sld [smem:$0x3FDB];
	_ =	sdelay $0x1  }
0x9f: {  	s19 =	simm.s32 $_scs_section_size  }
0xa0: {  	s5 =	simm.s32 $_size__tile_overlayer_lowered;
	s6 =	simm.s32 $_tile_overlayer_lowered  }
0xa1: {  	s22 =	simm.s32 $0x1BFF;
	s21 =	sshll.u32 s6, $0x1;
	s3 =	sadd.s32 s19, s18  }
0xa2: {  	s7 =	simm.s32 $0x0;
	s20 =	sshll.u32 s5, $0x1;
	s5 =	sadd.s32 s21, s3  }
0xa3: {  	[timem:s7], [sflag:s22] =	dma.local [hbm:s5], s20  }
0xa4: {  	_ =	swait.ge [sflag:s22], s20  }
0xa5: {  	s4 =	ssub.s32 $0x0, s20;
	[sflag:s22] =	ssyncset.done $0x0  }
0xa6: {  	[sflag:s22] =	ssyncadd.s32 s4;
	_ =	sdelay $0x1  }
0xa7: {  	s23 =	simm.s32 $0x1B8B  }
0xa8: {  	_ =	swait.ge [sflag:s23], $0x1  }
0xa9: {  	[sflag:s23] =	ssyncset.done $0x0  }
0xaa: {  	s25 =	simm.s32 $0x1B8E;
	s24 =	sld [smem:$0x3FFE];
	[sflag:s23] =	ssyncadd.s32 $0xFFFFFFFF  }
0xab: {  	s26 =	simm.s32 $execute0_lowered;
	[smem:$0x3FD2] =	sst s25  }
0xac: {  	s5 =	sshll.u32 s26, $0x1;
	_ =	strace $0x80000046;
	[dreg:$0x1] =	wrdreg $0xFFFFFFFF  }
0xad: {  	s28 =	simm.s32 $_size_execute0_lowered;
	s3 =	sadd.s32 s3, s5;
	[dreg:$0x0] =	wrdreg $0x0  }
0xae: {  	s5 =	sshll.u32 s28, $0x1;
	[dreg:$0x2] =	wrdreg s3  }
0xaf: {  	[dreg:$0x3] =	wrdreg s5  }
0xb0: {  	[dreg:$0x4] =	wrdreg $0xC0  }
0xb1: {  	_ =	task [dreg:s7], $0x5FFFF  }
0xb2: {  	[dreg:$0x1] =	wrdreg $0xFFFFFFFF  }
0xb3: {  	[dreg:$0x0] =	wrdreg $0x60  }
0xb4: {  	[dreg:$0x2] =	wrdreg s24  }
0xb5: {  	[dreg:$0x3] =	wrdreg s16  }
0xb6: {  	[dreg:$0x4] =	wrdreg $0x0  }
0xb7: {  	[dreg:$0x5] =	wrdreg $0x9  }
0xb8: {  	_ =	task.clear_ibuf [dreg:s7], $0x6FFFF;
	_ =	strace $0x90000046  }
0xb9: {  	s29 =	simm.s32 $0x9;
	_ =	strace $0x80000048  }
0xba: {  	_ =	swait.ge [sflag:s29], $0x1  }
0xbb: {  	[sflag:s29] =	ssyncadd.s32 $0xFFFFFFFF  }
0xbc: {  	_ =	strace $0x90000048  }
0xbd: {  	_ =	sfence  }
0xbe: {  	s30 =	sld [smem:$0x0];
	_ =	sdelay $0x2  }
0xbf: {  	s31 =	sshll.u32 s1, $0xD;
	s1 =	sshrl.u32 s1, $0x2  }
0xc0: {  	s3 =	sand.u32 $0x4000, s31;
	s1 =	sadd.s32 s1, s30  }
0xc1: {  	s0 =	sor.u32 s3, s0;
	s1 =	sshll.u32 s1, $0x11  }
0xc2: {  	s0 =	sor.u32 s1, s0  }
0xc3: {  	s0 =	sadd.s32 $0x8F2B, s0  }
0xc4: {  	[sflag:s0] =	ssyncadd.remote.s32 $0x1  }
0xc5: {  	_ =	sfence.sel $0xFFFF  }
0xc6: {  	[dreg:$0x0] =	wrdreg $0xFFFFFFFF;
	(pc) =	sbr.abs _section_cstart, $3  }
0xc7: {  	[dreg:$0x1] =	wrdreg $0xFFFFFFFF  }
0xc8: {  	_ =	task.clear_ibuf [dreg:s7], $0x2FFFF;
	_ =	strace $0x9FFFFFFF  }
0xc9: {  	(tm) =	ssettm $0x7FFFFFFF  }
tec
execute0_lowered:
.L_overlay_start_1:
0x0: {  	(tag) =	ssettag $0x1  }
0x1: {  	s6 =	rddreg [dreg:$0x0]  }
0x2: {  	s1 =	rddreg [dreg:$0x1]  }
0x3: {  	s3 =	rddreg [dreg:$0x2];
	s2 =	srdreg.scid  }
0x4: {  	s0 =	rddreg [dreg:$0x3];
	s4 =	simm.s32 $0x0;
	s13 =	simm.s32 $0x2800  }
0x5: {  	s14 =	simm.s32 $0x50;
	s7 =	sand.u32 $0x1, s2;
	s2 =	stileid.u32  }
0x6: {  	s15 =	simm.s32 $0x0;
	[smem:$0x7FF] =	sst s4;
	s8 =	smul.u32 $0x140000, s7  }
0x7: {  	s5 =	sshll.u32 s7, $0x4;
	s9 =	smul.u32 $0x14000, s2;
	_ =	strace $0x80000047  }
0x8: {  	s10 =	smul.u32 $0x50000, s2;
	s31 =	ssub.s32 $0x2, s7;
	s5 =	sor.u32 s2, s5  }
0x9: {  	s11 =	sshll.u32 s2, $0x6;
	s7 =	sshrl.u32 s31, $0x1;
	s5 =	smul.u32 $0x7D0, s5  }
0xa: {  	s8 =	sadd.s32 s9, s8;
	s10 =	sshrl.u32 s10, $0x2;
	s12 =	ssub.s32 s31, s7  }
0xb: {  	s8 =	sshrl.u32 s8, $0x3;
	s10 =	sadd.s32 s10, s3;
	s9 =	smax.u32 s12, $0x1  }
0xc: {  	s12 =	simm.s32 $0x6680;
	s30 =	sadd.s32 s5, s6;
	s5 =	sadd.s32 $0x12800, s6  }
0xd: {  	s8 =	sadd.s32 s8, s6;
	s6 =	sor.u32 $0x1C01, s11;
	s10 =	sshrl.u32 s10, $0x3  }
0xe: {  	s11 =	simm.s32 $0x1;
	s7 =	sadd.s32 $0x2E00, s30;
	s8 =	sadd.s32 $0x15000, s8  }
.LBB2_1:
0xf: {  	[spmem:s10], [sflag:s6] =	dma.local [hbm:s5], $0x2800  }
0x10: {  	_ =	swait.ge [sflag:s11], $0x2800  }
0x11: {  	[sflag:s11] =	ssyncset.done $0x0  }
0x12: {  	[sflag:s11] =	ssyncadd.s32 $0xFFFFD800  }
0x13: {  	[tilespmem:s12], [sflag:$0x1] =	stream.linear.gather [hbm4b:s1+s4], $0x2800, $0x38;
	[tilespmem:$0x8E80] =	vst v63  }
0x14: {  	_ =	swait.ge [sflag:s11], $0x2800  }
0x15: {  	[sflag:s11] =	ssyncset.done $0x0  }
0x16: {  	[sflag:s11] =	ssyncadd.s32 $0xFFFFD800  }
0x17: {  	[tilespmem:s13], [sflag:$0x1] =	stream.linear.gather [hbm4b:s7+s4], $0x3E80, $0x38;
	[tilespmem:$0x8E80] =	vst v63  }
0x18: {  	_ =	swait.ge [sflag:s11], $0x3E80  }
0x19: {  	[sflag:s11] =	ssyncset.done $0x0  }
0x1a: {  	[sflag:s11] =	ssyncadd.s32 $0xFFFFC180  }
0x1b: {  	s16 =	simm.s32 $0x2800;
	[bflag:$0x0] =	sbarrier.arrive $0xFFFF  }
0x1c: {  	[spmem:s3] =	stream.indirect.scatter.add.f32 [tilespmem:s12], [sflag:$0x1], $0x10, s16, s14, $0xb8;
	[tilespmem:$0x8E80] =	vst v63  }
0x1d: {  	s16 =	simm.s32 $0x200;
	_ =	swait.ge [sflag:s11], $0x500  }
.LBB2_2:
0x1e: {  	s17 =	sshra.s32 s16, $0x2;
	[sflag:s11] =	ssyncset.done $0x0;
	p0 =	sne.s32 s16, $0xF800  }
.Ltmp0:
0x1f: {  	s17 =	sadd.s32 $0x2800, s17;
	[sflag:s11] =	ssyncadd.s32 $0xFFFFFB00;
	(pc) =	sbr.rel @p0 .LBB2_2-.Ltmp0, $3  }
0x20: {  	[spmem:s3] =	stream.indirect.scatter.add.f32 [tilespmem:s12], [sflag:$0x1], $0x10, s17, s14, $0xb8;
	[tilespmem:$0x8E80] =	vst v63  }
0x21: {  	s16 =	sadd.s32 $0x200, s16;
	_ =	sdelay $0x1  }
0x22: {  	_ =	swait.ge [sflag:s11], $0x500  }
0x23: {  	[sflag:s11] =	ssyncset.done $0x0;
	s15 =	sadd.s32 $0x1, s15  }
0x24: {  	[sflag:s11] =	ssyncadd.s32 $0xFFFFFB00;
	p0 =	sne.s32 s15, s9  }
.Ltmp1:
0x25: {  	[bflag:$0x0] =	sbarrier.arrive $0xFFFF;
	(pc) =	sbr.rel @p0 .LBB2_1-.Ltmp1, $4  }
0x26: {  	[hbm:s8], [sflag:s6] =	dma.local [spmem:s10], $0x2800  }
0x27: {  	_ =	swait.ge [sflag:s11], $0x2800  }
0x28: {  	[sflag:s11] =	ssyncset.done $0x0  }
0x29: {  	[sflag:s11] =	ssyncadd.s32 $0xFFFFD800  }
0x2a: {  	_ =	sfence.sel $0x180000  }
0x2b: {  	[bflag:$0x0] =	sbarrier.arrive $0xFFFF  }
0x2c: {  	p0 =	sne.s32 s2, $0x0;
	_ =	strace $0x90000047  }
0x2d: {  	s0 =	sadd.s32 @!p0 $0x100000, s0;
	[bflag:$0x2] =	sbarrier.arrive $0xFFFF  }
0x2e: {  	[sflag:s0] =	ssyncadd.tile.s32 @!p0 $0x1;
	_ =	shalt  }
.Lfunc_end2:
_tile_overlayer_lowered:
.L_overlay_start_2:
0x2f: {  	(tag) =	ssettag $0x2  }
0x30: {  	s0 =	rddreg [dreg:$0x0];
	s2 =	stileid.u32  }
0x31: {  	s1 =	rddreg [dreg:$0x1];
	p0 =	sne.s32 s2, $0x0  }
0x32: {  	s3 =	rddreg [dreg:$0x2];
	[bflag:$0x3] =	sbarrier.arrive $0xFFFF;
	s2 =	simm.s32 @!p0 $0x1C01  }
0x33: {  	[timem:s3], [sflag:s2] =	dma.local @!p0 [hbm:s0], s1  }
0x34: {  	s0 =	simm.s32 @!p0 $0x1  }
0x35: {  	_ =	swait.ge @!p0 [sflag:s0], s1  }
0x36: {  	s1 =	ssub.s32 @!p0 $0x0, s1;
	[sflag:s0] =	ssyncset.done @!p0 $0x0  }
0x37: {  	[sflag:s0] =	ssyncadd.s32 @!p0 s1  }
0x38: {  	[bflag:$0x3] =	sbarrier.arrive $0xFFFF  }
0x39: {  	_ =	shalt  }

</sc_bundles>
